<compile_context>
chip_gen: v7x
topology: tpu7x:2x2x1
jax: 0.10.2.dev20260603
libtpu: 0.0.44.dev20260713+nightly
codegen_flags: <defaults>
</compile_context>

<pallas_src>
import functools

import jax
import jax.numpy as jnp
from jax import lax
from jax.experimental import pallas as pl
from jax.experimental.pallas import tpu as pltpu
from jax.experimental.pallas import tpu_sc as plsc

N = 10000
E = 320000
D = 128
NP = 10240

NC = 2
NS = 16
NW = NC * NS
SLABW = 128
NROW = 80
CHUNK = 128
NCHUNK = 80
EPW = NROW * SLABW
EP = EPW * NW
ROWS_PER_TILE = NP // NS

_mesh = plsc.VectorSubcoreMesh(core_axis_name="c", subcore_axis_name="s")


_NB = 2


def _make_agg(with_deg):
    out_type = [jax.ShapeDtypeStruct((NC, NP, D), jnp.float32)]
    scratch = [
        pltpu.VMEM_SHARED((NP, D), jnp.float32),
        pltpu.VMEM((NROW, SLABW), jnp.int32),
    ]
    scratch += [pltpu.VMEM((CHUNK,), jnp.int32) for _ in range(_NB)]
    scratch += [pltpu.VMEM((CHUNK,), jnp.int32) for _ in range(_NB)]
    scratch += [pltpu.VMEM((CHUNK, D), jnp.float32) for _ in range(_NB)]
    scratch += [pltpu.SemaphoreType.DMA] * _NB
    scratch += [pltpu.SemaphoreType.DMA] * _NB
    if with_deg:
        out_type += [jax.ShapeDtypeStruct((NP,), jnp.float32),
                     jax.ShapeDtypeStruct((NP,), jnp.float32)]
        scratch += [
            pltpu.VMEM_SHARED((NP,), jnp.float32),
            pltpu.VMEM((CHUNK,), jnp.float32),
        ]
        scratch += [pltpu.SemaphoreType.DMA] * _NB

    def body(*refs):
        if with_deg:
            (table, pk3, zrows, zdeg, out_agg, out_deg0, out_deg1,
             acc, pkw, *rest) = refs
            sb = rest[0:_NB]
            db = rest[_NB:2 * _NB]
            rows = rest[2 * _NB:3 * _NB]
            gg = rest[3 * _NB:4 * _NB]
            gs = rest[4 * _NB:5 * _NB]
            dega, ones_v = rest[5 * _NB:5 * _NB + 2]
            gd = rest[5 * _NB + 2:6 * _NB + 2]
        else:
            (table, pk3, zrows, out_agg, acc, pkw, *rest) = refs
            sb = rest[0:_NB]
            db = rest[_NB:2 * _NB]
            rows = rest[2 * _NB:3 * _NB]
            gg = rest[3 * _NB:4 * _NB]
            gs = rest[4 * _NB:5 * _NB]
            dega = ones_v = gd = None
        c = lax.axis_index("c")
        s = lax.axis_index("s")
        wid = c * NS + s
        r0 = s * ROWS_PER_TILE

        pltpu.sync_copy(pk3.at[wid], pkw)
        pltpu.sync_copy(zrows.at[pl.ds(r0, ROWS_PER_TILE)],
                        acc.at[pl.ds(r0, ROWS_PER_TILE)])
        if with_deg:
            @pl.when(s == 0)
            def _():
                pltpu.sync_copy(zdeg, dega)
            for j in range(CHUNK // 16):
                ones_v[pl.ds(j * 16, 16)] = jnp.full((16,), 1.0, jnp.float32)
        plsc.subcore_barrier()

        def step(j, b, ob, wait_prev=True):
            if wait_prev:
                pltpu.make_async_copy(rows[ob], acc.at[db[ob]], gs[ob]).wait()
                if with_deg:
                    pltpu.make_async_copy(ones_v, dega.at[db[ob]],
                                          gd[ob]).wait()
            jc = jnp.minimum(j + 1, NCHUNK - 1)
            sb[ob][...] = pkw[jc] & jnp.int32(0xFFFF)
            pltpu.async_copy(table.at[sb[ob]], rows[ob], gg[ob])
            pltpu.make_async_copy(table.at[sb[b]], rows[b], gg[b]).wait()
            db[b][...] = pkw[jnp.minimum(j, NCHUNK - 1)] >> 16
            pltpu.async_copy(rows[b], acc.at[db[b]], gs[b], add=True)
            if with_deg:
                pltpu.async_copy(ones_v, dega.at[db[b]], gd[b], add=True)

        sb[0][...] = pkw[0] & jnp.int32(0xFFFF)
        pltpu.async_copy(table.at[sb[0]], rows[0], gg[0])
        step(0, 0, 1, wait_prev=False)

        def pair(i, carry):
            step(2 * i + 1, 1, 0)
            step(2 * i + 2, 0, 1)
            return carry

        lax.fori_loop(0, (NCHUNK - 2) // 2, pair, 0)
        step(NCHUNK - 1, 1, 0)
        pltpu.make_async_copy(table.at[sb[0]], rows[0], gg[0]).wait()
        pltpu.make_async_copy(rows[1], acc.at[db[1]], gs[1]).wait()
        if with_deg:
            pltpu.make_async_copy(ones_v, dega.at[db[1]], gd[1]).wait()
        plsc.subcore_barrier()

        pltpu.sync_copy(acc.at[pl.ds(r0, ROWS_PER_TILE)],
                        out_agg.at[c, pl.ds(r0, ROWS_PER_TILE)])
        if with_deg:
            @pl.when(c == 0)
            def _():
                pltpu.sync_copy(dega.at[pl.ds(r0, ROWS_PER_TILE)],
                                out_deg0.at[pl.ds(r0, ROWS_PER_TILE)])

            @pl.when(c == 1)
            def _():
                pltpu.sync_copy(dega.at[pl.ds(r0, ROWS_PER_TILE)],
                                out_deg1.at[pl.ds(r0, ROWS_PER_TILE)])

    return pl.kernel(body, mesh=_mesh, out_type=tuple(out_type),
                     scratch_types=scratch)


_agg_deg = _make_agg(with_deg=True)
_agg = _make_agg(with_deg=False)

_R = 1024
_RS = _R // D


def _dense_body(p_ref, d0_ref, d1_ref, h_ref, wl_ref, bl_ref, wr_ref, *o_refs,
                selu, emit_bf16):
    agg = p_ref[0] + p_ref[1]
    deg = d0_ref[...] + d1_ref[...]
    r = 1.0 / jnp.maximum(deg, 1.0)
    a3 = agg.reshape(_RS, D, D) * r[:, :, None]
    a = a3.reshape(_R, D)
    out = (lax.dot_general(a, wl_ref[...], (((1,), (1,)), ((), ())),
                           preferred_element_type=jnp.float32)
           + bl_ref[...]
           + lax.dot_general(h_ref[...], wr_ref[...], (((1,), (1,)), ((), ())),
                             preferred_element_type=jnp.float32))
    if selu:
        alpha = 1.6732632423543772
        scale = 1.0507009873554805
        out = scale * jnp.where(out > 0, out, alpha * (jnp.exp(out) - 1.0))
    o_refs[0][...] = out
    if emit_bf16:
        u = lax.bitcast_convert_type(out.astype(jnp.bfloat16), jnp.uint16)
        pk = (u[:, :D // 2].astype(jnp.uint32)
              | (u[:, D // 2:].astype(jnp.uint32) << 16))
        o_refs[1][...] = lax.bitcast_convert_type(pk, jnp.int32)


def _dense(p, d0, d1, h, Wl, bl2, Wr, selu, emit_bf16=False):
    out_shape = [jax.ShapeDtypeStruct((NP, D), jnp.float32)]
    out_specs = [pl.BlockSpec((_R, D), lambda i: (i, 0))]
    if emit_bf16:
        out_shape.append(jax.ShapeDtypeStruct((NP, D // 2), jnp.int32))
        out_specs.append(pl.BlockSpec((_R, D // 2), lambda i: (i, 0)))
    return pl.pallas_call(
        functools.partial(_dense_body, selu=selu, emit_bf16=emit_bf16),
        grid=(NP // _R,),
        in_specs=[
            pl.BlockSpec((NC, _R, D), lambda i: (0, i, 0)),
            pl.BlockSpec((_RS, D), lambda i: (i, 0)),
            pl.BlockSpec((_RS, D), lambda i: (i, 0)),
            pl.BlockSpec((_R, D), lambda i: (i, 0)),
            pl.BlockSpec((D, D), lambda i: (0, 0)),
            pl.BlockSpec((1, D), lambda i: (0, 0)),
            pl.BlockSpec((D, D), lambda i: (0, 0)),
        ],
        out_specs=out_specs,
        out_shape=out_shape,
    )(p, d0, d1, h, Wl, bl2, Wr)


def kernel(x, adj_t, W1l, b1l, W1r, W2l, b2l, W2r):
    pad = jnp.full((EP - E,), N, jnp.int32)
    src = jnp.concatenate([adj_t[0], pad])
    dst = jnp.concatenate([adj_t[1], pad])
    pk = (src | (dst << 16)).reshape(NW, NROW, SLABW)
    xp = jnp.pad(x, ((0, NP - N), (0, 0)))
    zrows = jnp.zeros((NP, D), jnp.float32)
    zdeg = jnp.zeros((NP,), jnp.float32)
    p1, deg0, deg1 = _agg_deg(xp, pk, zrows, zdeg)
    d0 = deg0.reshape(NP // D, D)
    d1 = deg1.reshape(NP // D, D)
    h1, = _dense(p1, d0, d1, xp, W1l, b1l.reshape(1, D), W1r, selu=True)
    p2, = _agg(h1, pk, zrows)
    out, = _dense(p2, d0, d1, h1, W2l, b2l.reshape(1, D), W2r, selu=False)
    return out[:N]

# --- scband reference (transcript-rebuilt; emitter-appended) ---
"""Pipeline reference for scband-graph-sage-15556371546548 (READ-ONLY COPY).

The authoritative reference and input builder live on the scoring server;
editing this copy changes nothing except your own understanding.
"""

import jax, jax.numpy as jnp
import numpy as np

N = 10000
E = 320000
D = 128


def setup_inputs(seed: int = 0) -> dict:
    key = jax.random.key(seed)
    ks = jax.random.split(key, 9)
    x = jax.random.normal(ks[0], (N, D), dtype=jnp.float32)
    adj_t = jax.random.randint(ks[1], (2, E), 0, N, dtype=jnp.int32)
    s = 1.0 / np.sqrt(D)
    W1l = jax.random.uniform(ks[2], (D, D), jnp.float32, -s, s)
    b1l = jax.random.uniform(ks[3], (D,), jnp.float32, -s, s)
    W1r = jax.random.uniform(ks[4], (D, D), jnp.float32, -s, s)
    W2l = jax.random.uniform(ks[5], (D, D), jnp.float32, -s, s)
    b2l = jax.random.uniform(ks[6], (D,), jnp.float32, -s, s)
    W2r = jax.random.uniform(ks[7], (D, D), jnp.float32, -s, s)
    return {"x": x, "adj_t": adj_t, "W1l": W1l, "b1l": b1l, "W1r": W1r,
            "W2l": W2l, "b2l": b2l, "W2r": W2r}


def _sage_conv(h, src, dst, Wl, bl, Wr):
    # PyG SAGEConv (mean aggregation, root_weight=True, normalize=False):
    # out = lin_l(mean_j x_j) + lin_r(x_i); lin_l has bias, lin_r has no bias.
    msg = h[src]                                            # gather
    agg = jax.ops.segment_sum(msg, dst, num_segments=N)     # scatter-add
    deg = jax.ops.segment_sum(jnp.ones((src.shape[0],), dtype=h.dtype), dst,
                              num_segments=N)
    agg = agg / jnp.maximum(deg, 1.0)[:, None]
    return agg @ Wl.T + bl + h @ Wr.T


def reference(x, adj_t, W1l, b1l, W1r, W2l, b2l, W2r):
    src = adj_t[0]
    dst = adj_t[1]
    h = _sage_conv(x, src, dst, W1l, b1l, W1r)
    h = jax.nn.selu(h)
    # dropout p=0.0 -> identity
    out = _sage_conv(h, src, dst, W2l, b2l, W2r)
    return out

if __name__ == "__main__":
    import jax
    _d = setup_inputs()
    print(jax.jit(kernel)(*tuple(_d.values())))

</pallas_src>

<mosaic_0001>
#map = affine_map<(d0, d1) -> (0, 0)>
#map1 = affine_map<(d0, d1) -> (0, 0, 0)>
module attributes {stable_mosaic.version = 14 : i64} {
  func.func @body(%arg0: i32, %arg1: i32, %arg2: memref<10240x128xf32, #tpu.memory_space<hbm>>, %arg3: memref<32x80x128xi32, #tpu.memory_space<hbm>>, %arg4: memref<10240x128xf32, #tpu.memory_space<hbm>>, %arg5: memref<2x10240x128xf32, #tpu.memory_space<hbm>>, %arg6: memref<10240x128xf32, #tpu.memory_space<vmem_shared>>, %arg7: memref<80x128xi32, #tpu.memory_space<vmem>>, %arg8: memref<128xi32, #tpu.memory_space<vmem>>, %arg9: memref<128xi32, #tpu.memory_space<vmem>>, %arg10: memref<128xi32, #tpu.memory_space<vmem>>, %arg11: memref<128xi32, #tpu.memory_space<vmem>>, %arg12: memref<128x128xf32, #tpu.memory_space<vmem>>, %arg13: memref<128x128xf32, #tpu.memory_space<vmem>>, %arg14: memref<!tpu.dma_semaphore, #tpu.memory_space<semaphore_mem>>, %arg15: memref<!tpu.dma_semaphore, #tpu.memory_space<semaphore_mem>>, %arg16: memref<!tpu.dma_semaphore, #tpu.memory_space<semaphore_mem>>, %arg17: memref<!tpu.dma_semaphore, #tpu.memory_space<semaphore_mem>>) attributes {dimension_semantics = [#tpu.dimension_semantics<core_parallel>, #tpu.dimension_semantics<subcore_parallel>], iteration_bounds = array<i64: 2, 16>, scalar_prefetch = 0 : i64, scratch_operands = 12 : i64, tpu.core_type = #tpu.core_type<sc_vector_subcore>, window_params = [{transform_indices = #map}, {transform_indices = #map1}, {transform_indices = #map}, {transform_indices = #map1}]} {
    %mul3A = arith.constant 16 : i32
    %mul3A_0 = arith.muli %arg0, %mul3A : i32
    %add3A = arith.addi %mul3A_0, %arg1 : i32
    %mul3A_1 = arith.constant 640 : i32
    %mul3A_2 = arith.muli %arg1, %mul3A_1 : i32
    "tpu.region"() ({
      %run_scoped3A = tpu.sem_alloc : memref<!tpu.dma_semaphore, #tpu.memory_space<semaphore_mem>>
      %dma_start3A_100 = arith.constant 0 : i32
      %dma_start3A_101 = arith.constant 0 : i32
      %dma_start3A_102 = tpu.memref_slice %arg3[%add3A, %dma_start3A_100, %dma_start3A_101] : memref<32x80x128xi32, #tpu.memory_space<hbm>> -> memref<1x80x128xi32, #tpu.memory_space<hbm>>
      %dma_start3A_103 = tpu.memref_squeeze %dma_start3A_102 : memref<1x80x128xi32, #tpu.memory_space<hbm>> -> memref<80x128xi32, #tpu.memory_space<hbm>>
      %dma_start3A_104 = arith.constant 0 : i32
      %dma_start3A_105 = arith.constant 0 : i32
      %dma_start3A_106 = tpu.memref_slice %arg3[%add3A, %dma_start3A_104, %dma_start3A_105] : memref<32x80x128xi32, #tpu.memory_space<hbm>> -> memref<1x80x128xi32, #tpu.memory_space<hbm>>
      %dma_start3A_107 = tpu.memref_squeeze %dma_start3A_106 : memref<1x80x128xi32, #tpu.memory_space<hbm>> -> memref<80x128xi32, #tpu.memory_space<hbm>>
      tpu.enqueue_dma source(%dma_start3A_107 : memref<80x128xi32, #tpu.memory_space<hbm>>) target(%arg7 : memref<80x128xi32, #tpu.memory_space<vmem>>) target_semaphore(%run_scoped3A : memref<!tpu.dma_semaphore, #tpu.memory_space<semaphore_mem>>)
      %dma_wait3A_108 = arith.constant 0 : i32
      %dma_wait3A_109 = arith.constant 0 : i32
      %dma_wait3A_110 = tpu.memref_slice %arg3[%add3A, %dma_wait3A_108, %dma_wait3A_109] : memref<32x80x128xi32, #tpu.memory_space<hbm>> -> memref<1x80x128xi32, #tpu.memory_space<hbm>>
      %dma_wait3A_111 = tpu.memref_squeeze %dma_wait3A_110 : memref<1x80x128xi32, #tpu.memory_space<hbm>> -> memref<80x128xi32, #tpu.memory_space<hbm>>
      %dma_wait3A_112 = arith.constant 0 : i32
      %dma_wait3A_113 = arith.constant 0 : i32
      %dma_wait3A_114 = tpu.memref_slice %arg3[%add3A, %dma_wait3A_112, %dma_wait3A_113] : memref<32x80x128xi32, #tpu.memory_space<hbm>> -> memref<1x80x128xi32, #tpu.memory_space<hbm>>
      %dma_wait3A_115 = tpu.memref_squeeze %dma_wait3A_114 : memref<1x80x128xi32, #tpu.memory_space<hbm>> -> memref<80x128xi32, #tpu.memory_space<hbm>>
      tpu.wait_dma2 semaphore(%run_scoped3A : memref<!tpu.dma_semaphore, #tpu.memory_space<semaphore_mem>>) src(%dma_wait3A_115 : memref<80x128xi32, #tpu.memory_space<hbm>>) dst(%arg7 : memref<80x128xi32, #tpu.memory_space<vmem>>)
      tpu.yield
    }) : () -> ()
    "tpu.region"() ({
      %run_scoped3A = tpu.sem_alloc : memref<!tpu.dma_semaphore, #tpu.memory_space<semaphore_mem>>
      %dma_start3A_100 = arith.constant 0 : i32
      %dma_start3A_101 = tpu.memref_slice %arg6[%mul3A_2, %dma_start3A_100] : memref<10240x128xf32, #tpu.memory_space<vmem_shared>> -> memref<640x128xf32, #tpu.memory_space<vmem_shared>>
      %dma_start3A_102 = arith.constant 0 : i32
      %dma_start3A_103 = tpu.memref_slice %arg4[%mul3A_2, %dma_start3A_102] : memref<10240x128xf32, #tpu.memory_space<hbm>> -> memref<640x128xf32, #tpu.memory_space<hbm>>
      tpu.enqueue_dma source(%dma_start3A_103 : memref<640x128xf32, #tpu.memory_space<hbm>>) target(%dma_start3A_101 : memref<640x128xf32, #tpu.memory_space<vmem_shared>>) target_semaphore(%run_scoped3A : memref<!tpu.dma_semaphore, #tpu.memory_space<semaphore_mem>>)
      %dma_wait3A_104 = arith.constant 0 : i32
      %dma_wait3A_105 = tpu.memref_slice %arg6[%mul3A_2, %dma_wait3A_104] : memref<10240x128xf32, #tpu.memory_space<vmem_shared>> -> memref<640x128xf32, #tpu.memory_space<vmem_shared>>
      %dma_wait3A_106 = arith.constant 0 : i32
      %dma_wait3A_107 = tpu.memref_slice %arg4[%mul3A_2, %dma_wait3A_106] : memref<10240x128xf32, #tpu.memory_space<hbm>> -> memref<640x128xf32, #tpu.memory_space<hbm>>
      tpu.wait_dma2 semaphore(%run_scoped3A : memref<!tpu.dma_semaphore, #tpu.memory_space<semaphore_mem>>) src(%dma_wait3A_107 : memref<640x128xf32, #tpu.memory_space<hbm>>) dst(%dma_wait3A_105 : memref<640x128xf32, #tpu.memory_space<vmem_shared>>)
      tpu.yield
    }) : () -> ()
    %barrier3A = arith.constant 0 : index
    tpu.barrier barrier_id(%barrier3A)
    %get3A = arith.constant 0 : i32
    %get3A_3 = arith.index_cast %get3A : i32 to index
    %get3A_4 = arith.constant 0 : index
    %get3A_5 = tpu.vector_load %arg7[%get3A_3, %get3A_4] {strides = array<i32>} : memref<80x128xi32, #tpu.memory_space<vmem>>, vector<1x128xi32>,
    %get3A_6 = vector.shape_cast %get3A_5 : vector<1x128xi32> to vector<128xi32>
    %and3A = arith.constant 65535 : i32
    %and3A_7 = vector.broadcast %and3A : i32 to vector<128xi32>
    %and3A_8 = arith.andi %get3A_6, %and3A_7 : vector<128xi32>
    %swap3A = arith.constant 0 : index
    %swap3A_9 = tpu.vector_load %arg8[%swap3A] {strides = array<i32>} : memref<128xi32, #tpu.memory_space<vmem>>, vector<128xi32>,
    %swap3A_10 = vector.shape_cast %swap3A_9 : vector<128xi32> to vector<128xi32>
    %swap3A_11 = vector.shape_cast %and3A_8 : vector<128xi32> to vector<128xi32>
    tpu.vector_store %arg8[%swap3A], %swap3A_11 {strides = array<i32>} : memref<128xi32, #tpu.memory_space<vmem>>, vector<128xi32>,
    %dma_start3A = arith.constant 0 : i32
    %dma_start3A_12 = arith.constant 0 : i32
    %dma_start3A_13 = tpu.memref_slice %arg2[%dma_start3A, %dma_start3A_12] : memref<10240x128xf32, #tpu.memory_space<hbm>> -> memref<10240x128xf32, #tpu.memory_space<hbm>>
    tpu.enqueue_indirect_dma source(%dma_start3A_13 : memref<10240x128xf32, #tpu.memory_space<hbm>>) target(%arg12 : memref<128x128xf32, #tpu.memory_space<vmem>>) offsets(%arg8 : memref<128xi32, #tpu.memory_space<vmem>>) semaphore(%arg14 : memref<!tpu.dma_semaphore, #tpu.memory_space<semaphore_mem>>)
    %min3A = arith.constant 1 : i32
    %min3A_14 = arith.constant 79 : i32
    %min3A_15 = arith.minsi %min3A, %min3A_14 : i32
    %get3A_16 = arith.index_cast %min3A_15 : i32 to index
    %get3A_17 = arith.constant 0 : index
    %get3A_18 = tpu.vector_load %arg7[%get3A_16, %get3A_17] {strides = array<i32>} : memref<80x128xi32, #tpu.memory_space<vmem>>, vector<1x128xi32>,
    %get3A_19 = vector.shape_cast %get3A_18 : vector<1x128xi32> to vector<128xi32>
    %and3A_20 = arith.constant 65535 : i32
    %and3A_21 = vector.broadcast %and3A_20 : i32 to vector<128xi32>
    %and3A_22 = arith.andi %get3A_19, %and3A_21 : vector<128xi32>
    %swap3A_23 = arith.constant 0 : index
    %swap3A_24 = tpu.vector_load %arg9[%swap3A_23] {strides = array<i32>} : memref<128xi32, #tpu.memory_space<vmem>>, vector<128xi32>,
    %swap3A_25 = vector.shape_cast %swap3A_24 : vector<128xi32> to vector<128xi32>
    %swap3A_26 = vector.shape_cast %and3A_22 : vector<128xi32> to vector<128xi32>
    tpu.vector_store %arg9[%swap3A_23], %swap3A_26 {strides = array<i32>} : memref<128xi32, #tpu.memory_space<vmem>>, vector<128xi32>,
    %dma_start3A_27 = arith.constant 0 : i32
    %dma_start3A_28 = arith.constant 0 : i32
    %dma_start3A_29 = tpu.memref_slice %arg2[%dma_start3A_27, %dma_start3A_28] : memref<10240x128xf32, #tpu.memory_space<hbm>> -> memref<10240x128xf32, #tpu.memory_space<hbm>>
    tpu.enqueue_indirect_dma source(%dma_start3A_29 : memref<10240x128xf32, #tpu.memory_space<hbm>>) target(%arg13 : memref<128x128xf32, #tpu.memory_space<vmem>>) offsets(%arg9 : memref<128xi32, #tpu.memory_space<vmem>>) semaphore(%arg15 : memref<!tpu.dma_semaphore, #tpu.memory_space<semaphore_mem>>)
    %dma_wait3A = arith.constant 0 : i32
    %dma_wait3A_30 = arith.constant 0 : i32
    %dma_wait3A_31 = tpu.memref_slice %arg2[%dma_wait3A, %dma_wait3A_30] : memref<10240x128xf32, #tpu.memory_space<hbm>> -> memref<10240x128xf32, #tpu.memory_space<hbm>>
    tpu.wait_indirect_dma semaphore(%arg14 : memref<!tpu.dma_semaphore, #tpu.memory_space<semaphore_mem>>) src(%dma_wait3A_31 : memref<10240x128xf32, #tpu.memory_space<hbm>>) dst(%arg12 : memref<128x128xf32, #tpu.memory_space<vmem>>)
    %min3A_32 = arith.constant 0 : i32
    %min3A_33 = arith.constant 79 : i32
    %min3A_34 = arith.minsi %min3A_32, %min3A_33 : i32
    %get3A_35 = arith.index_cast %min3A_34 : i32 to index
    %get3A_36 = arith.constant 0 : index
    %get3A_37 = tpu.vector_load %arg7[%get3A_35, %get3A_36] {strides = array<i32>} : memref<80x128xi32, #tpu.memory_space<vmem>>, vector<1x128xi32>,
    %get3A_38 = vector.shape_cast %get3A_37 : vector<1x128xi32> to vector<128xi32>
    %shift_right_arithmetic3A = arith.constant 16 : i32
    %shift_right_arithmetic3A_39 = vector.broadcast %shift_right_arithmetic3A : i32 to vector<128xi32>
    %shift_right_arithmetic3A_40 = arith.shrsi %get3A_38, %shift_right_arithmetic3A_39 : vector<128xi32>
    %swap3A_41 = arith.constant 0 : index
    %swap3A_42 = tpu.vector_load %arg10[%swap3A_41] {strides = array<i32>} : memref<128xi32, #tpu.memory_space<vmem>>, vector<128xi32>,
    %swap3A_43 = vector.shape_cast %swap3A_42 : vector<128xi32> to vector<128xi32>
    %swap3A_44 = vector.shape_cast %shift_right_arithmetic3A_40 : vector<128xi32> to vector<128xi32>
    tpu.vector_store %arg10[%swap3A_41], %swap3A_44 {strides = array<i32>} : memref<128xi32, #tpu.memory_space<vmem>>, vector<128xi32>,
    %dma_start3A_45 = arith.constant 0 : i32
    %dma_start3A_46 = arith.constant 0 : i32
    %dma_start3A_47 = tpu.memref_slice %arg6[%dma_start3A_45, %dma_start3A_46] : memref<10240x128xf32, #tpu.memory_space<vmem_shared>> -> memref<10240x128xf32, #tpu.memory_space<vmem_shared>>
    tpu.enqueue_indirect_dma source(%arg12 : memref<128x128xf32, #tpu.memory_space<vmem>>) target(%dma_start3A_47 : memref<10240x128xf32, #tpu.memory_space<vmem_shared>>) offsets(%arg10 : memref<128xi32, #tpu.memory_space<vmem>>) semaphore(%arg16 : memref<!tpu.dma_semaphore, #tpu.memory_space<semaphore_mem>>) {add = true}
    %scan3A = arith.constant 0 : i32
    %scan3A_48 = arith.constant 0 : i32
    %scan3A_49 = arith.constant 39 : i32
    %scan3A_50 = arith.addi %scan3A_48, %scan3A_49 : i32
    %scan3A_51 = arith.constant 1 : i32
    scf.for %scan3A_100 = %scan3A_48 to %scan3A_50 step %scan3A_51  : i32 {
      %mul3A_101 = arith.constant 2 : i32
      %mul3A_102 = arith.muli %mul3A_101, %scan3A_100 : i32
      %add3A_103 = arith.constant 1 : i32
      %add3A_104 = arith.addi %mul3A_102, %add3A_103 : i32
      %dma_wait3A_105 = arith.constant 0 : i32
      %dma_wait3A_106 = arith.constant 0 : i32
      %dma_wait3A_107 = tpu.memref_slice %arg6[%dma_wait3A_105, %dma_wait3A_106] : memref<10240x128xf32, #tpu.memory_space<vmem_shared>> -> memref<10240x128xf32, #tpu.memory_space<vmem_shared>>
      tpu.wait_indirect_dma semaphore(%arg16 : memref<!tpu.dma_semaphore, #tpu.memory_space<semaphore_mem>>) src(%arg12 : memref<128x128xf32, #tpu.memory_space<vmem>>) dst(%dma_wait3A_107 : memref<10240x128xf32, #tpu.memory_space<vmem_shared>>)
      %add3A_108 = arith.constant 1 : i32
      %add3A_109 = arith.addi %add3A_104, %add3A_108 : i32
      %min3A_110 = arith.constant 79 : i32
      %min3A_111 = arith.minsi %add3A_109, %min3A_110 : i32
      %get3A_112 = arith.index_cast %min3A_111 : i32 to index
      %get3A_113 = arith.constant 0 : index
      %get3A_114 = tpu.vector_load %arg7[%get3A_112, %get3A_113] {strides = array<i32>} : memref<80x128xi32, #tpu.memory_space<vmem>>, vector<1x128xi32>,
      %get3A_115 = vector.shape_cast %get3A_114 : vector<1x128xi32> to vector<128xi32>
      %and3A_116 = arith.constant 65535 : i32
      %and3A_117 = vector.broadcast %and3A_116 : i32 to vector<128xi32>
      %and3A_118 = arith.andi %get3A_115, %and3A_117 : vector<128xi32>
      %swap3A_119 = arith.constant 0 : index
      %swap3A_120 = tpu.vector_load %arg8[%swap3A_119] {strides = array<i32>} : memref<128xi32, #tpu.memory_space<vmem>>, vector<128xi32>,
      %swap3A_121 = vector.shape_cast %swap3A_120 : vector<128xi32> to vector<128xi32>
      %swap3A_122 = vector.shape_cast %and3A_118 : vector<128xi32> to vector<128xi32>
      tpu.vector_store %arg8[%swap3A_119], %swap3A_122 {strides = array<i32>} : memref<128xi32, #tpu.memory_space<vmem>>, vector<128xi32>,
      %dma_start3A_123 = arith.constant 0 : i32
      %dma_start3A_124 = arith.constant 0 : i32
      %dma_start3A_125 = tpu.memref_slice %arg2[%dma_start3A_123, %dma_start3A_124] : memref<10240x128xf32, #tpu.memory_space<hbm>> -> memref<10240x128xf32, #tpu.memory_space<hbm>>
      tpu.enqueue_indirect_dma source(%dma_start3A_125 : memref<10240x128xf32, #tpu.memory_space<hbm>>) target(%arg12 : memref<128x128xf32, #tpu.memory_space<vmem>>) offsets(%arg8 : memref<128xi32, #tpu.memory_space<vmem>>) semaphore(%arg14 : memref<!tpu.dma_semaphore, #tpu.memory_space<semaphore_mem>>)
      %dma_wait3A_126 = arith.constant 0 : i32
      %dma_wait3A_127 = arith.constant 0 : i32
      %dma_wait3A_128 = tpu.memref_slice %arg2[%dma_wait3A_126, %dma_wait3A_127] : memref<10240x128xf32, #tpu.memory_space<hbm>> -> memref<10240x128xf32, #tpu.memory_space<hbm>>
      tpu.wait_indirect_dma semaphore(%arg15 : memref<!tpu.dma_semaphore, #tpu.memory_space<semaphore_mem>>) src(%dma_wait3A_128 : memref<10240x128xf32, #tpu.memory_space<hbm>>) dst(%arg13 : memref<128x128xf32, #tpu.memory_space<vmem>>)
      %min3A_129 = arith.constant 79 : i32
      %min3A_130 = arith.minsi %add3A_104, %min3A_129 : i32
      %get3A_131 = arith.index_cast %min3A_130 : i32 to index
      %get3A_132 = arith.constant 0 : index
      %get3A_133 = tpu.vector_load %arg7[%get3A_131, %get3A_132] {strides = array<i32>} : memref<80x128xi32, #tpu.memory_space<vmem>>, vector<1x128xi32>,
      %get3A_134 = vector.shape_cast %get3A_133 : vector<1x128xi32> to vector<128xi32>
      %shift_right_arithmetic3A_135 = arith.constant 16 : i32
      %shift_right_arithmetic3A_136 = vector.broadcast %shift_right_arithmetic3A_135 : i32 to vector<128xi32>
      %shift_right_arithmetic3A_137 = arith.shrsi %get3A_134, %shift_right_arithmetic3A_136 : vector<128xi32>
      %swap3A_138 = arith.constant 0 : index
      %swap3A_139 = tpu.vector_load %arg11[%swap3A_138] {strides = array<i32>} : memref<128xi32, #tpu.memory_space<vmem>>, vector<128xi32>,
      %swap3A_140 = vector.shape_cast %swap3A_139 : vector<128xi32> to vector<128xi32>
      %swap3A_141 = vector.shape_cast %shift_right_arithmetic3A_137 : vector<128xi32> to vector<128xi32>
      tpu.vector_store %arg11[%swap3A_138], %swap3A_141 {strides = array<i32>} : memref<128xi32, #tpu.memory_space<vmem>>, vector<128xi32>,
      %dma_start3A_142 = arith.constant 0 : i32
      %dma_start3A_143 = arith.constant 0 : i32
      %dma_start3A_144 = tpu.memref_slice %arg6[%dma_start3A_142, %dma_start3A_143] : memref<10240x128xf32, #tpu.memory_space<vmem_shared>> -> memref<10240x128xf32, #tpu.memory_space<vmem_shared>>
      tpu.enqueue_indirect_dma source(%arg13 : memref<128x128xf32, #tpu.memory_space<vmem>>) target(%dma_start3A_144 : memref<10240x128xf32, #tpu.memory_space<vmem_shared>>) offsets(%arg11 : memref<128xi32, #tpu.memory_space<vmem>>) semaphore(%arg17 : memref<!tpu.dma_semaphore, #tpu.memory_space<semaphore_mem>>) {add = true}
      %mul3A_145 = arith.constant 2 : i32
      %mul3A_146 = arith.muli %mul3A_145, %scan3A_100 : i32
      %add3A_147 = arith.constant 2 : i32
      %add3A_148 = arith.addi %mul3A_146, %add3A_147 : i32
      %dma_wait3A_149 = arith.constant 0 : i32
      %dma_wait3A_150 = arith.constant 0 : i32
      %dma_wait3A_151 = tpu.memref_slice %arg6[%dma_wait3A_149, %dma_wait3A_150] : memref<10240x128xf32, #tpu.memory_space<vmem_shared>> -> memref<10240x128xf32, #tpu.memory_space<vmem_shared>>
      tpu.wait_indirect_dma semaphore(%arg17 : memref<!tpu.dma_semaphore, #tpu.memory_space<semaphore_mem>>) src(%arg13 : memref<128x128xf32, #tpu.memory_space<vmem>>) dst(%dma_wait3A_151 : memref<10240x128xf32, #tpu.memory_space<vmem_shared>>)
      %add3A_152 = arith.constant 1 : i32
      %add3A_153 = arith.addi %add3A_148, %add3A_152 : i32
      %min3A_154 = arith.constant 79 : i32
      %min3A_155 = arith.minsi %add3A_153, %min3A_154 : i32
      %get3A_156 = arith.index_cast %min3A_155 : i32 to index
      %get3A_157 = arith.constant 0 : index
      %get3A_158 = tpu.vector_load %arg7[%get3A_156, %get3A_157] {strides = array<i32>} : memref<80x128xi32, #tpu.memory_space<vmem>>, vector<1x128xi32>,
      %get3A_159 = vector.shape_cast %get3A_158 : vector<1x128xi32> to vector<128xi32>
      %and3A_160 = arith.constant 65535 : i32
      %and3A_161 = vector.broadcast %and3A_160 : i32 to vector<128xi32>
      %and3A_162 = arith.andi %get3A_159, %and3A_161 : vector<128xi32>
      %swap3A_163 = arith.constant 0 : index
      %swap3A_164 = tpu.vector_load %arg9[%swap3A_163] {strides = array<i32>} : memref<128xi32, #tpu.memory_space<vmem>>, vector<128xi32>,
      %swap3A_165 = vector.shape_cast %swap3A_164 : vector<128xi32> to vector<128xi32>
      %swap3A_166 = vector.shape_cast %and3A_162 : vector<128xi32> to vector<128xi32>
      tpu.vector_store %arg9[%swap3A_163], %swap3A_166 {strides = array<i32>} : memref<128xi32, #tpu.memory_space<vmem>>, vector<128xi32>,
      %dma_start3A_167 = arith.constant 0 : i32
      %dma_start3A_168 = arith.constant 0 : i32
      %dma_start3A_169 = tpu.memref_slice %arg2[%dma_start3A_167, %dma_start3A_168] : memref<10240x128xf32, #tpu.memory_space<hbm>> -> memref<10240x128xf32, #tpu.memory_space<hbm>>
      tpu.enqueue_indirect_dma source(%dma_start3A_169 : memref<10240x128xf32, #tpu.memory_space<hbm>>) target(%arg13 : memref<128x128xf32, #tpu.memory_space<vmem>>) offsets(%arg9 : memref<128xi32, #tpu.memory_space<vmem>>) semaphore(%arg15 : memref<!tpu.dma_semaphore, #tpu.memory_space<semaphore_mem>>)
      %dma_wait3A_170 = arith.constant 0 : i32
      %dma_wait3A_171 = arith.constant 0 : i32
      %dma_wait3A_172 = tpu.memref_slice %arg2[%dma_wait3A_170, %dma_wait3A_171] : memref<10240x128xf32, #tpu.memory_space<hbm>> -> memref<10240x128xf32, #tpu.memory_space<hbm>>
      tpu.wait_indirect_dma semaphore(%arg14 : memref<!tpu.dma_semaphore, #tpu.memory_space<semaphore_mem>>) src(%dma_wait3A_172 : memref<10240x128xf32, #tpu.memory_space<hbm>>) dst(%arg12 : memref<128x128xf32, #tpu.memory_space<vmem>>)
      %min3A_173 = arith.constant 79 : i32
      %min3A_174 = arith.minsi %add3A_148, %min3A_173 : i32
      %get3A_175 = arith.index_cast %min3A_174 : i32 to index
      %get3A_176 = arith.constant 0 : index
      %get3A_177 = tpu.vector_load %arg7[%get3A_175, %get3A_176] {strides = array<i32>} : memref<80x128xi32, #tpu.memory_space<vmem>>, vector<1x128xi32>,
      %get3A_178 = vector.shape_cast %get3A_177 : vector<1x128xi32> to vector<128xi32>
      %shift_right_arithmetic3A_179 = arith.constant 16 : i32
      %shift_right_arithmetic3A_180 = vector.broadcast %shift_right_arithmetic3A_179 : i32 to vector<128xi32>
      %shift_right_arithmetic3A_181 = arith.shrsi %get3A_178, %shift_right_arithmetic3A_180 : vector<128xi32>
      %swap3A_182 = arith.constant 0 : index
      %swap3A_183 = tpu.vector_load %arg10[%swap3A_182] {strides = array<i32>} : memref<128xi32, #tpu.memory_space<vmem>>, vector<128xi32>,
      %swap3A_184 = vector.shape_cast %swap3A_183 : vector<128xi32> to vector<128xi32>
      %swap3A_185 = vector.shape_cast %shift_right_arithmetic3A_181 : vector<128xi32> to vector<128xi32>
      tpu.vector_store %arg10[%swap3A_182], %swap3A_185 {strides = array<i32>} : memref<128xi32, #tpu.memory_space<vmem>>, vector<128xi32>,
      %dma_start3A_186 = arith.constant 0 : i32
      %dma_start3A_187 = arith.constant 0 : i32
      %dma_start3A_188 = tpu.memref_slice %arg6[%dma_start3A_186, %dma_start3A_187] : memref<10240x128xf32, #tpu.memory_space<vmem_shared>> -> memref<10240x128xf32, #tpu.memory_space<vmem_shared>>
      tpu.enqueue_indirect_dma source(%arg12 : memref<128x128xf32, #tpu.memory_space<vmem>>) target(%dma_start3A_188 : memref<10240x128xf32, #tpu.memory_space<vmem_shared>>) offsets(%arg10 : memref<128xi32, #tpu.memory_space<vmem>>) semaphore(%arg16 : memref<!tpu.dma_semaphore, #tpu.memory_space<semaphore_mem>>) {add = true}
    }
    %scan3A_52 = arith.constant 39 : i32
    %dma_wait3A_53 = arith.constant 0 : i32
    %dma_wait3A_54 = arith.constant 0 : i32
    %dma_wait3A_55 = tpu.memref_slice %arg6[%dma_wait3A_53, %dma_wait3A_54] : memref<10240x128xf32, #tpu.memory_space<vmem_shared>> -> memref<10240x128xf32, #tpu.memory_space<vmem_shared>>
    tpu.wait_indirect_dma semaphore(%arg16 : memref<!tpu.dma_semaphore, #tpu.memory_space<semaphore_mem>>) src(%arg12 : memref<128x128xf32, #tpu.memory_space<vmem>>) dst(%dma_wait3A_55 : memref<10240x128xf32, #tpu.memory_space<vmem_shared>>)
    %min3A_56 = arith.constant 80 : i32
    %min3A_57 = arith.constant 79 : i32
    %min3A_58 = arith.minsi %min3A_56, %min3A_57 : i32
    %get3A_59 = arith.index_cast %min3A_58 : i32 to index
    %get3A_60 = arith.constant 0 : index
    %get3A_61 = tpu.vector_load %arg7[%get3A_59, %get3A_60] {strides = array<i32>} : memref<80x128xi32, #tpu.memory_space<vmem>>, vector<1x128xi32>,
    %get3A_62 = vector.shape_cast %get3A_61 : vector<1x128xi32> to vector<128xi32>
    %and3A_63 = arith.constant 65535 : i32
    %and3A_64 = vector.broadcast %and3A_63 : i32 to vector<128xi32>
    %and3A_65 = arith.andi %get3A_62, %and3A_64 : vector<128xi32>
    %swap3A_66 = arith.constant 0 : index
    %swap3A_67 = tpu.vector_load %arg8[%swap3A_66] {strides = array<i32>} : memref<128xi32, #tpu.memory_space<vmem>>, vector<128xi32>,
    %swap3A_68 = vector.shape_cast %swap3A_67 : vector<128xi32> to vector<128xi32>
    %swap3A_69 = vector.shape_cast %and3A_65 : vector<128xi32> to vector<128xi32>
    tpu.vector_store %arg8[%swap3A_66], %swap3A_69 {strides = array<i32>} : memref<128xi32, #tpu.memory_space<vmem>>, vector<128xi32>,
    %dma_start3A_70 = arith.constant 0 : i32
    %dma_start3A_71 = arith.constant 0 : i32
    %dma_start3A_72 = tpu.memref_slice %arg2[%dma_start3A_70, %dma_start3A_71] : memref<10240x128xf32, #tpu.memory_space<hbm>> -> memref<10240x128xf32, #tpu.memory_space<hbm>>
    tpu.enqueue_indirect_dma source(%dma_start3A_72 : memref<10240x128xf32, #tpu.memory_space<hbm>>) target(%arg12 : memref<128x128xf32, #tpu.memory_space<vmem>>) offsets(%arg8 : memref<128xi32, #tpu.memory_space<vmem>>) semaphore(%arg14 : memref<!tpu.dma_semaphore, #tpu.memory_space<semaphore_mem>>)
    %dma_wait3A_73 = arith.constant 0 : i32
    %dma_wait3A_74 = arith.constant 0 : i32
    %dma_wait3A_75 = tpu.memref_slice %arg2[%dma_wait3A_73, %dma_wait3A_74] : memref<10240x128xf32, #tpu.memory_space<hbm>> -> memref<10240x128xf32, #tpu.memory_space<hbm>>
    tpu.wait_indirect_dma semaphore(%arg15 : memref<!tpu.dma_semaphore, #tpu.memory_space<semaphore_mem>>) src(%dma_wait3A_75 : memref<10240x128xf32, #tpu.memory_space<hbm>>) dst(%arg13 : memref<128x128xf32, #tpu.memory_space<vmem>>)
    %min3A_76 = arith.constant 79 : i32
    %min3A_77 = arith.constant 79 : i32
    %min3A_78 = arith.minsi %min3A_76, %min3A_77 : i32
    %get3A_79 = arith.index_cast %min3A_78 : i32 to index
    %get3A_80 = arith.constant 0 : index
    %get3A_81 = tpu.vector_load %arg7[%get3A_79, %get3A_80] {strides = array<i32>} : memref<80x128xi32, #tpu.memory_space<vmem>>, vector<1x128xi32>,
    %get3A_82 = vector.shape_cast %get3A_81 : vector<1x128xi32> to vector<128xi32>
    %shift_right_arithmetic3A_83 = arith.constant 16 : i32
    %shift_right_arithmetic3A_84 = vector.broadcast %shift_right_arithmetic3A_83 : i32 to vector<128xi32>
    %shift_right_arithmetic3A_85 = arith.shrsi %get3A_82, %shift_right_arithmetic3A_84 : vector<128xi32>
    %swap3A_86 = arith.constant 0 : index
    %swap3A_87 = tpu.vector_load %arg11[%swap3A_86] {strides = array<i32>} : memref<128xi32, #tpu.memory_space<vmem>>, vector<128xi32>,
    %swap3A_88 = vector.shape_cast %swap3A_87 : vector<128xi32> to vector<128xi32>
    %swap3A_89 = vector.shape_cast %shift_right_arithmetic3A_85 : vector<128xi32> to vector<128xi32>
    tpu.vector_store %arg11[%swap3A_86], %swap3A_89 {strides = array<i32>} : memref<128xi32, #tpu.memory_space<vmem>>, vector<128xi32>,
    %dma_start3A_90 = arith.constant 0 : i32
    %dma_start3A_91 = arith.constant 0 : i32
    %dma_start3A_92 = tpu.memref_slice %arg6[%dma_start3A_90, %dma_start3A_91] : memref<10240x128xf32, #tpu.memory_space<vmem_shared>> -> memref<10240x128xf32, #tpu.memory_space<vmem_shared>>
    tpu.enqueue_indirect_dma source(%arg13 : memref<128x128xf32, #tpu.memory_space<vmem>>) target(%dma_start3A_92 : memref<10240x128xf32, #tpu.memory_space<vmem_shared>>) offsets(%arg11 : memref<128xi32, #tpu.memory_space<vmem>>) semaphore(%arg17 : memref<!tpu.dma_semaphore, #tpu.memory_space<semaphore_mem>>) {add = true}
    %dma_wait3A_93 = arith.constant 0 : i32
    %dma_wait3A_94 = arith.constant 0 : i32
    %dma_wait3A_95 = tpu.memref_slice %arg2[%dma_wait3A_93, %dma_wait3A_94] : memref<10240x128xf32, #tpu.memory_space<hbm>> -> memref<10240x128xf32, #tpu.memory_space<hbm>>
    tpu.wait_indirect_dma semaphore(%arg14 : memref<!tpu.dma_semaphore, #tpu.memory_space<semaphore_mem>>) src(%dma_wait3A_95 : memref<10240x128xf32, #tpu.memory_space<hbm>>) dst(%arg12 : memref<128x128xf32, #tpu.memory_space<vmem>>)
    %dma_wait3A_96 = arith.constant 0 : i32
    %dma_wait3A_97 = arith.constant 0 : i32
    %dma_wait3A_98 = tpu.memref_slice %arg6[%dma_wait3A_96, %dma_wait3A_97] : memref<10240x128xf32, #tpu.memory_space<vmem_shared>> -> memref<10240x128xf32, #tpu.memory_space<vmem_shared>>
    tpu.wait_indirect_dma semaphore(%arg17 : memref<!tpu.dma_semaphore, #tpu.memory_space<semaphore_mem>>) src(%arg13 : memref<128x128xf32, #tpu.memory_space<vmem>>) dst(%dma_wait3A_98 : memref<10240x128xf32, #tpu.memory_space<vmem_shared>>)
    %barrier3A_99 = arith.constant 0 : index
    tpu.barrier barrier_id(%barrier3A_99)
    "tpu.region"() ({
      %run_scoped3A = tpu.sem_alloc : memref<!tpu.dma_semaphore, #tpu.memory_space<semaphore_mem>>
      %dma_start3A_100 = arith.constant 0 : i32
      %dma_start3A_101 = tpu.memref_slice %arg5[%arg0, %mul3A_2, %dma_start3A_100] : memref<2x10240x128xf32, #tpu.memory_space<hbm>> -> memref<1x640x128xf32, #tpu.memory_space<hbm>>
      %dma_start3A_102 = tpu.memref_squeeze %dma_start3A_101 : memref<1x640x128xf32, #tpu.memory_space<hbm>> -> memref<640x128xf32, #tpu.memory_space<hbm>>
      %dma_start3A_103 = arith.constant 0 : i32
      %dma_start3A_104 = tpu.memref_slice %arg6[%mul3A_2, %dma_start3A_103] : memref<10240x128xf32, #tpu.memory_space<vmem_shared>> -> memref<640x128xf32, #tpu.memory_space<vmem_shared>>
      tpu.enqueue_dma source(%dma_start3A_104 : memref<640x128xf32, #tpu.memory_space<vmem_shared>>) target(%dma_start3A_102 : memref<640x128xf32, #tpu.memory_space<hbm>>) target_semaphore(%run_scoped3A : memref<!tpu.dma_semaphore, #tpu.memory_space<semaphore_mem>>)
      %dma_wait3A_105 = arith.constant 0 : i32
      %dma_wait3A_106 = tpu.memref_slice %arg5[%arg0, %mul3A_2, %dma_wait3A_105] : memref<2x10240x128xf32, #tpu.memory_space<hbm>> -> memref<1x640x128xf32, #tpu.memory_space<hbm>>
      %dma_wait3A_107 = tpu.memref_squeeze %dma_wait3A_106 : memref<1x640x128xf32, #tpu.memory_space<hbm>> -> memref<640x128xf32, #tpu.memory_space<hbm>>
      %dma_wait3A_108 = arith.constant 0 : i32
      %dma_wait3A_109 = tpu.memref_slice %arg6[%mul3A_2, %dma_wait3A_108] : memref<10240x128xf32, #tpu.memory_space<vmem_shared>> -> memref<640x128xf32, #tpu.memory_space<vmem_shared>>
      tpu.wait_dma2 semaphore(%run_scoped3A : memref<!tpu.dma_semaphore, #tpu.memory_space<semaphore_mem>>) src(%dma_wait3A_109 : memref<640x128xf32, #tpu.memory_space<vmem_shared>>) dst(%dma_wait3A_107 : memref<640x128xf32, #tpu.memory_space<hbm>>)
      tpu.yield
    }) : () -> ()
    return
  }
}

#map = affine_map<(d0, d1) -> (0, 0)>
#map1 = affine_map<(d0, d1) -> (0, 0, 0)>
#map2 = affine_map<(d0, d1) -> (0)>
module attributes {stable_mosaic.version = 14 : i64} {
  func.func @body(%arg0: i32, %arg1: i32, %arg2: memref<10240x128xf32, #tpu.memory_space<hbm>>, %arg3: memref<32x80x128xi32, #tpu.memory_space<hbm>>, %arg4: memref<10240x128xf32, #tpu.memory_space<hbm>>, %arg5: memref<10240xf32, #tpu.memory_space<hbm>>, %arg6: memref<2x10240x128xf32, #tpu.memory_space<hbm>>, %arg7: memref<10240xf32, #tpu.memory_space<hbm>>, %arg8: memref<10240xf32, #tpu.memory_space<hbm>>, %arg9: memref<10240x128xf32, #tpu.memory_space<vmem_shared>>, %arg10: memref<80x128xi32, #tpu.memory_space<vmem>>, %arg11: memref<128xi32, #tpu.memory_space<vmem>>, %arg12: memref<128xi32, #tpu.memory_space<vmem>>, %arg13: memref<128xi32, #tpu.memory_space<vmem>>, %arg14: memref<128xi32, #tpu.memory_space<vmem>>, %arg15: memref<128x128xf32, #tpu.memory_space<vmem>>, %arg16: memref<128x128xf32, #tpu.memory_space<vmem>>, %arg17: memref<!tpu.dma_semaphore, #tpu.memory_space<semaphore_mem>>, %arg18: memref<!tpu.dma_semaphore, #tpu.memory_space<semaphore_mem>>, %arg19: memref<!tpu.dma_semaphore, #tpu.memory_space<semaphore_mem>>, %arg20: memref<!tpu.dma_semaphore, #tpu.memory_space<semaphore_mem>>, %arg21: memref<10240xf32, #tpu.memory_space<vmem_shared>>, %arg22: memref<128xf32, #tpu.memory_space<vmem>>, %arg23: memref<!tpu.dma_semaphore, #tpu.memory_space<semaphore_mem>>, %arg24: memref<!tpu.dma_semaphore, #tpu.memory_space<semaphore_mem>>) attributes {dimension_semantics = [#tpu.dimension_semantics<core_parallel>, #tpu.dimension_semantics<subcore_parallel>], iteration_bounds = array<i64: 2, 16>, scalar_prefetch = 0 : i64, scratch_operands = 16 : i64, tpu.core_type = #tpu.core_type<sc_vector_subcore>, window_params = [{transform_indices = #map}, {transform_indices = #map1}, {transform_indices = #map}, {transform_indices = #map2}, {transform_indices = #map1}, {transform_indices = #map2}, {transform_indices = #map2}]} {
    %mul3A = arith.constant 16 : i32
    %mul3A_0 = arith.muli %arg0, %mul3A : i32
    %add3A = arith.addi %mul3A_0, %arg1 : i32
    %mul3A_1 = arith.constant 640 : i32
    %mul3A_2 = arith.muli %arg1, %mul3A_1 : i32
    "tpu.region"() ({
      %run_scoped3A = tpu.sem_alloc : memref<!tpu.dma_semaphore, #tpu.memory_space<semaphore_mem>>
      %dma_start3A_167 = arith.constant 0 : i32
      %dma_start3A_168 = arith.constant 0 : i32
      %dma_start3A_169 = tpu.memref_slice %arg3[%add3A, %dma_start3A_167, %dma_start3A_168] : memref<32x80x128xi32, #tpu.memory_space<hbm>> -> memref<1x80x128xi32, #tpu.memory_space<hbm>>
      %dma_start3A_170 = tpu.memref_squeeze %dma_start3A_169 : memref<1x80x128xi32, #tpu.memory_space<hbm>> -> memref<80x128xi32, #tpu.memory_space<hbm>>
      %dma_start3A_171 = arith.constant 0 : i32
      %dma_start3A_172 = arith.constant 0 : i32
      %dma_start3A_173 = tpu.memref_slice %arg3[%add3A, %dma_start3A_171, %dma_start3A_172] : memref<32x80x128xi32, #tpu.memory_space<hbm>> -> memref<1x80x128xi32, #tpu.memory_space<hbm>>
      %dma_start3A_174 = tpu.memref_squeeze %dma_start3A_173 : memref<1x80x128xi32, #tpu.memory_space<hbm>> -> memref<80x128xi32, #tpu.memory_space<hbm>>
      tpu.enqueue_dma source(%dma_start3A_174 : memref<80x128xi32, #tpu.memory_space<hbm>>) target(%arg10 : memref<80x128xi32, #tpu.memory_space<vmem>>) target_semaphore(%run_scoped3A : memref<!tpu.dma_semaphore, #tpu.memory_space<semaphore_mem>>)
      %dma_wait3A_175 = arith.constant 0 : i32
      %dma_wait3A_176 = arith.constant 0 : i32
      %dma_wait3A_177 = tpu.memref_slice %arg3[%add3A, %dma_wait3A_175, %dma_wait3A_176] : memref<32x80x128xi32, #tpu.memory_space<hbm>> -> memref<1x80x128xi32, #tpu.memory_space<hbm>>
      %dma_wait3A_178 = tpu.memref_squeeze %dma_wait3A_177 : memref<1x80x128xi32, #tpu.memory_space<hbm>> -> memref<80x128xi32, #tpu.memory_space<hbm>>
      %dma_wait3A_179 = arith.constant 0 : i32
      %dma_wait3A_180 = arith.constant 0 : i32
      %dma_wait3A_181 = tpu.memref_slice %arg3[%add3A, %dma_wait3A_179, %dma_wait3A_180] : memref<32x80x128xi32, #tpu.memory_space<hbm>> -> memref<1x80x128xi32, #tpu.memory_space<hbm>>
      %dma_wait3A_182 = tpu.memref_squeeze %dma_wait3A_181 : memref<1x80x128xi32, #tpu.memory_space<hbm>> -> memref<80x128xi32, #tpu.memory_space<hbm>>
      tpu.wait_dma2 semaphore(%run_scoped3A : memref<!tpu.dma_semaphore, #tpu.memory_space<semaphore_mem>>) src(%dma_wait3A_182 : memref<80x128xi32, #tpu.memory_space<hbm>>) dst(%arg10 : memref<80x128xi32, #tpu.memory_space<vmem>>)
      tpu.yield
    }) : () -> ()
    "tpu.region"() ({
      %run_scoped3A = tpu.sem_alloc : memref<!tpu.dma_semaphore, #tpu.memory_space<semaphore_mem>>
      %dma_start3A_167 = arith.constant 0 : i32
      %dma_start3A_168 = tpu.memref_slice %arg9[%mul3A_2, %dma_start3A_167] : memref<10240x128xf32, #tpu.memory_space<vmem_shared>> -> memref<640x128xf32, #tpu.memory_space<vmem_shared>>
      %dma_start3A_169 = arith.constant 0 : i32
      %dma_start3A_170 = tpu.memref_slice %arg4[%mul3A_2, %dma_start3A_169] : memref<10240x128xf32, #tpu.memory_space<hbm>> -> memref<640x128xf32, #tpu.memory_space<hbm>>
      tpu.enqueue_dma source(%dma_start3A_170 : memref<640x128xf32, #tpu.memory_space<hbm>>) target(%dma_start3A_168 : memref<640x128xf32, #tpu.memory_space<vmem_shared>>) target_semaphore(%run_scoped3A : memref<!tpu.dma_semaphore, #tpu.memory_space<semaphore_mem>>)
      %dma_wait3A_171 = arith.constant 0 : i32
      %dma_wait3A_172 = tpu.memref_slice %arg9[%mul3A_2, %dma_wait3A_171] : memref<10240x128xf32, #tpu.memory_space<vmem_shared>> -> memref<640x128xf32, #tpu.memory_space<vmem_shared>>
      %dma_wait3A_173 = arith.constant 0 : i32
      %dma_wait3A_174 = tpu.memref_slice %arg4[%mul3A_2, %dma_wait3A_173] : memref<10240x128xf32, #tpu.memory_space<hbm>> -> memref<640x128xf32, #tpu.memory_space<hbm>>
      tpu.wait_dma2 semaphore(%run_scoped3A : memref<!tpu.dma_semaphore, #tpu.memory_space<semaphore_mem>>) src(%dma_wait3A_174 : memref<640x128xf32, #tpu.memory_space<hbm>>) dst(%dma_wait3A_172 : memref<640x128xf32, #tpu.memory_space<vmem_shared>>)
      tpu.yield
    }) : () -> ()
    %eq3A = arith.constant 0 : i32
    %eq3A_3 = arith.cmpi eq, %arg1, %eq3A : i32
    %convert_element_type3A = arith.extui %eq3A_3 : i1 to i32
    %cond3A = arith.constant 0 : i32
    %cond3A_4 = arith.cmpi ne, %convert_element_type3A, %cond3A : i32
    scf.if %cond3A_4 {
      "tpu.region"() ({
        %run_scoped3A = tpu.sem_alloc : memref<!tpu.dma_semaphore, #tpu.memory_space<semaphore_mem>>
        tpu.enqueue_dma source(%arg5 : memref<10240xf32, #tpu.memory_space<hbm>>) target(%arg21 : memref<10240xf32, #tpu.memory_space<vmem_shared>>) target_semaphore(%run_scoped3A : memref<!tpu.dma_semaphore, #tpu.memory_space<semaphore_mem>>)
        tpu.wait_dma2 semaphore(%run_scoped3A : memref<!tpu.dma_semaphore, #tpu.memory_space<semaphore_mem>>) src(%arg5 : memref<10240xf32, #tpu.memory_space<hbm>>) dst(%arg21 : memref<10240xf32, #tpu.memory_space<vmem_shared>>)
        tpu.yield
      }) : () -> ()
    } else {
    }
    %broadcast_in_dim3A = arith.constant 1.000000e+00 : f32
    %broadcast_in_dim3A_5 = vector.broadcast %broadcast_in_dim3A : f32 to vector<16xf32>
    %swap3A = arith.constant 0 : index
    %swap3A_6 = tpu.vector_load %arg22[%swap3A] {strides = array<i32>} : memref<128xf32, #tpu.memory_space<vmem>>, vector<16xf32>,
    %swap3A_7 = vector.shape_cast %swap3A_6 : vector<16xf32> to vector<16xf32>
    %swap3A_8 = vector.shape_cast %broadcast_in_dim3A_5 : vector<16xf32> to vector<16xf32>
    tpu.vector_store %arg22[%swap3A], %swap3A_8 {strides = array<i32>} : memref<128xf32, #tpu.memory_space<vmem>>, vector<16xf32>,
    %broadcast_in_dim3A_9 = arith.constant 1.000000e+00 : f32
    %broadcast_in_dim3A_10 = vector.broadcast %broadcast_in_dim3A_9 : f32 to vector<16xf32>
    %swap3A_11 = arith.constant 16 : index
    %swap3A_12 = tpu.vector_load %arg22[%swap3A_11] {strides = array<i32>} : memref<128xf32, #tpu.memory_space<vmem>>, vector<16xf32>,
    %swap3A_13 = vector.shape_cast %swap3A_12 : vector<16xf32> to vector<16xf32>
    %swap3A_14 = vector.shape_cast %broadcast_in_dim3A_10 : vector<16xf32> to vector<16xf32>
    tpu.vector_store %arg22[%swap3A_11], %swap3A_14 {strides = array<i32>} : memref<128xf32, #tpu.memory_space<vmem>>, vector<16xf32>,
    %broadcast_in_dim3A_15 = arith.constant 1.000000e+00 : f32
    %broadcast_in_dim3A_16 = vector.broadcast %broadcast_in_dim3A_15 : f32 to vector<16xf32>
    %swap3A_17 = arith.constant 32 : index
    %swap3A_18 = tpu.vector_load %arg22[%swap3A_17] {strides = array<i32>} : memref<128xf32, #tpu.memory_space<vmem>>, vector<16xf32>,
    %swap3A_19 = vector.shape_cast %swap3A_18 : vector<16xf32> to vector<16xf32>
    %swap3A_20 = vector.shape_cast %broadcast_in_dim3A_16 : vector<16xf32> to vector<16xf32>
    tpu.vector_store %arg22[%swap3A_17], %swap3A_20 {strides = array<i32>} : memref<128xf32, #tpu.memory_space<vmem>>, vector<16xf32>,
    %broadcast_in_dim3A_21 = arith.constant 1.000000e+00 : f32
    %broadcast_in_dim3A_22 = vector.broadcast %broadcast_in_dim3A_21 : f32 to vector<16xf32>
    %swap3A_23 = arith.constant 48 : index
    %swap3A_24 = tpu.vector_load %arg22[%swap3A_23] {strides = array<i32>} : memref<128xf32, #tpu.memory_space<vmem>>, vector<16xf32>,
    %swap3A_25 = vector.shape_cast %swap3A_24 : vector<16xf32> to vector<16xf32>
    %swap3A_26 = vector.shape_cast %broadcast_in_dim3A_22 : vector<16xf32> to vector<16xf32>
    tpu.vector_store %arg22[%swap3A_23], %swap3A_26 {strides = array<i32>} : memref<128xf32, #tpu.memory_space<vmem>>, vector<16xf32>,
    %broadcast_in_dim3A_27 = arith.constant 1.000000e+00 : f32
    %broadcast_in_dim3A_28 = vector.broadcast %broadcast_in_dim3A_27 : f32 to vector<16xf32>
    %swap3A_29 = arith.constant 64 : index
    %swap3A_30 = tpu.vector_load %arg22[%swap3A_29] {strides = array<i32>} : memref<128xf32, #tpu.memory_space<vmem>>, vector<16xf32>,
    %swap3A_31 = vector.shape_cast %swap3A_30 : vector<16xf32> to vector<16xf32>
    %swap3A_32 = vector.shape_cast %broadcast_in_dim3A_28 : vector<16xf32> to vector<16xf32>
    tpu.vector_store %arg22[%swap3A_29], %swap3A_32 {strides = array<i32>} : memref<128xf32, #tpu.memory_space<vmem>>, vector<16xf32>,
    %broadcast_in_dim3A_33 = arith.constant 1.000000e+00 : f32
    %broadcast_in_dim3A_34 = vector.broadcast %broadcast_in_dim3A_33 : f32 to vector<16xf32>
    %swap3A_35 = arith.constant 80 : index
    %swap3A_36 = tpu.vector_load %arg22[%swap3A_35] {strides = array<i32>} : memref<128xf32, #tpu.memory_space<vmem>>, vector<16xf32>,
    %swap3A_37 = vector.shape_cast %swap3A_36 : vector<16xf32> to vector<16xf32>
    %swap3A_38 = vector.shape_cast %broadcast_in_dim3A_34 : vector<16xf32> to vector<16xf32>
    tpu.vector_store %arg22[%swap3A_35], %swap3A_38 {strides = array<i32>} : memref<128xf32, #tpu.memory_space<vmem>>, vector<16xf32>,
    %broadcast_in_dim3A_39 = arith.constant 1.000000e+00 : f32
    %broadcast_in_dim3A_40 = vector.broadcast %broadcast_in_dim3A_39 : f32 to vector<16xf32>
    %swap3A_41 = arith.constant 96 : index
    %swap3A_42 = tpu.vector_load %arg22[%swap3A_41] {strides = array<i32>} : memref<128xf32, #tpu.memory_space<vmem>>, vector<16xf32>,
    %swap3A_43 = vector.shape_cast %swap3A_42 : vector<16xf32> to vector<16xf32>
    %swap3A_44 = vector.shape_cast %broadcast_in_dim3A_40 : vector<16xf32> to vector<16xf32>
    tpu.vector_store %arg22[%swap3A_41], %swap3A_44 {strides = array<i32>} : memref<128xf32, #tpu.memory_space<vmem>>, vector<16xf32>,
    %broadcast_in_dim3A_45 = arith.constant 1.000000e+00 : f32
    %broadcast_in_dim3A_46 = vector.broadcast %broadcast_in_dim3A_45 : f32 to vector<16xf32>
    %swap3A_47 = arith.constant 112 : index
    %swap3A_48 = tpu.vector_load %arg22[%swap3A_47] {strides = array<i32>} : memref<128xf32, #tpu.memory_space<vmem>>, vector<16xf32>,
    %swap3A_49 = vector.shape_cast %swap3A_48 : vector<16xf32> to vector<16xf32>
    %swap3A_50 = vector.shape_cast %broadcast_in_dim3A_46 : vector<16xf32> to vector<16xf32>
    tpu.vector_store %arg22[%swap3A_47], %swap3A_50 {strides = array<i32>} : memref<128xf32, #tpu.memory_space<vmem>>, vector<16xf32>,
    %barrier3A = arith.constant 0 : index
    tpu.barrier barrier_id(%barrier3A)
    %get3A = arith.constant 0 : i32
    %get3A_51 = arith.index_cast %get3A : i32 to index
    %get3A_52 = arith.constant 0 : index
    %get3A_53 = tpu.vector_load %arg10[%get3A_51, %get3A_52] {strides = array<i32>} : memref<80x128xi32, #tpu.memory_space<vmem>>, vector<1x128xi32>,
    %get3A_54 = vector.shape_cast %get3A_53 : vector<1x128xi32> to vector<128xi32>
    %and3A = arith.constant 65535 : i32
    %and3A_55 = vector.broadcast %and3A : i32 to vector<128xi32>
    %and3A_56 = arith.andi %get3A_54, %and3A_55 : vector<128xi32>
    %swap3A_57 = arith.constant 0 : index
    %swap3A_58 = tpu.vector_load %arg11[%swap3A_57] {strides = array<i32>} : memref<128xi32, #tpu.memory_space<vmem>>, vector<128xi32>,
    %swap3A_59 = vector.shape_cast %swap3A_58 : vector<128xi32> to vector<128xi32>
    %swap3A_60 = vector.shape_cast %and3A_56 : vector<128xi32> to vector<128xi32>
    tpu.vector_store %arg11[%swap3A_57], %swap3A_60 {strides = array<i32>} : memref<128xi32, #tpu.memory_space<vmem>>, vector<128xi32>,
    %dma_start3A = arith.constant 0 : i32
    %dma_start3A_61 = arith.constant 0 : i32
    %dma_start3A_62 = tpu.memref_slice %arg2[%dma_start3A, %dma_start3A_61] : memref<10240x128xf32, #tpu.memory_space<hbm>> -> memref<10240x128xf32, #tpu.memory_space<hbm>>
    tpu.enqueue_indirect_dma source(%dma_start3A_62 : memref<10240x128xf32, #tpu.memory_space<hbm>>) target(%arg15 : memref<128x128xf32, #tpu.memory_space<vmem>>) offsets(%arg11 : memref<128xi32, #tpu.memory_space<vmem>>) semaphore(%arg17 : memref<!tpu.dma_semaphore, #tpu.memory_space<semaphore_mem>>)
    %min3A = arith.constant 1 : i32
    %min3A_63 = arith.constant 79 : i32
    %min3A_64 = arith.minsi %min3A, %min3A_63 : i32
    %get3A_65 = arith.index_cast %min3A_64 : i32 to index
    %get3A_66 = arith.constant 0 : index
    %get3A_67 = tpu.vector_load %arg10[%get3A_65, %get3A_66] {strides = array<i32>} : memref<80x128xi32, #tpu.memory_space<vmem>>, vector<1x128xi32>,
    %get3A_68 = vector.shape_cast %get3A_67 : vector<1x128xi32> to vector<128xi32>
    %and3A_69 = arith.constant 65535 : i32
    %and3A_70 = vector.broadcast %and3A_69 : i32 to vector<128xi32>
    %and3A_71 = arith.andi %get3A_68, %and3A_70 : vector<128xi32>
    %swap3A_72 = arith.constant 0 : index
    %swap3A_73 = tpu.vector_load %arg12[%swap3A_72] {strides = array<i32>} : memref<128xi32, #tpu.memory_space<vmem>>, vector<128xi32>,
    %swap3A_74 = vector.shape_cast %swap3A_73 : vector<128xi32> to vector<128xi32>
    %swap3A_75 = vector.shape_cast %and3A_71 : vector<128xi32> to vector<128xi32>
    tpu.vector_store %arg12[%swap3A_72], %swap3A_75 {strides = array<i32>} : memref<128xi32, #tpu.memory_space<vmem>>, vector<128xi32>,
    %dma_start3A_76 = arith.constant 0 : i32
    %dma_start3A_77 = arith.constant 0 : i32
    %dma_start3A_78 = tpu.memref_slice %arg2[%dma_start3A_76, %dma_start3A_77] : memref<10240x128xf32, #tpu.memory_space<hbm>> -> memref<10240x128xf32, #tpu.memory_space<hbm>>
    tpu.enqueue_indirect_dma source(%dma_start3A_78 : memref<10240x128xf32, #tpu.memory_space<hbm>>) target(%arg16 : memref<128x128xf32, #tpu.memory_space<vmem>>) offsets(%arg12 : memref<128xi32, #tpu.memory_space<vmem>>) semaphore(%arg18 : memref<!tpu.dma_semaphore, #tpu.memory_space<semaphore_mem>>)
    %dma_wait3A = arith.constant 0 : i32
    %dma_wait3A_79 = arith.constant 0 : i32
    %dma_wait3A_80 = tpu.memref_slice %arg2[%dma_wait3A, %dma_wait3A_79] : memref<10240x128xf32, #tpu.memory_space<hbm>> -> memref<10240x128xf32, #tpu.memory_space<hbm>>
    tpu.wait_indirect_dma semaphore(%arg17 : memref<!tpu.dma_semaphore, #tpu.memory_space<semaphore_mem>>) src(%dma_wait3A_80 : memref<10240x128xf32, #tpu.memory_space<hbm>>) dst(%arg15 : memref<128x128xf32, #tpu.memory_space<vmem>>)
    %min3A_81 = arith.constant 0 : i32
    %min3A_82 = arith.constant 79 : i32
    %min3A_83 = arith.minsi %min3A_81, %min3A_82 : i32
    %get3A_84 = arith.index_cast %min3A_83 : i32 to index
    %get3A_85 = arith.constant 0 : index
    %get3A_86 = tpu.vector_load %arg10[%get3A_84, %get3A_85] {strides = array<i32>} : memref<80x128xi32, #tpu.memory_space<vmem>>, vector<1x128xi32>,
    %get3A_87 = vector.shape_cast %get3A_86 : vector<1x128xi32> to vector<128xi32>
    %shift_right_arithmetic3A = arith.constant 16 : i32
    %shift_right_arithmetic3A_88 = vector.broadcast %shift_right_arithmetic3A : i32 to vector<128xi32>
    %shift_right_arithmetic3A_89 = arith.shrsi %get3A_87, %shift_right_arithmetic3A_88 : vector<128xi32>
    %swap3A_90 = arith.constant 0 : index
    %swap3A_91 = tpu.vector_load %arg13[%swap3A_90] {strides = array<i32>} : memref<128xi32, #tpu.memory_space<vmem>>, vector<128xi32>,
    %swap3A_92 = vector.shape_cast %swap3A_91 : vector<128xi32> to vector<128xi32>
    %swap3A_93 = vector.shape_cast %shift_right_arithmetic3A_89 : vector<128xi32> to vector<128xi32>
    tpu.vector_store %arg13[%swap3A_90], %swap3A_93 {strides = array<i32>} : memref<128xi32, #tpu.memory_space<vmem>>, vector<128xi32>,
    %dma_start3A_94 = arith.constant 0 : i32
    %dma_start3A_95 = arith.constant 0 : i32
    %dma_start3A_96 = tpu.memref_slice %arg9[%dma_start3A_94, %dma_start3A_95] : memref<10240x128xf32, #tpu.memory_space<vmem_shared>> -> memref<10240x128xf32, #tpu.memory_space<vmem_shared>>
    tpu.enqueue_indirect_dma source(%arg15 : memref<128x128xf32, #tpu.memory_space<vmem>>) target(%dma_start3A_96 : memref<10240x128xf32, #tpu.memory_space<vmem_shared>>) offsets(%arg13 : memref<128xi32, #tpu.memory_space<vmem>>) semaphore(%arg19 : memref<!tpu.dma_semaphore, #tpu.memory_space<semaphore_mem>>) {add = true}
    %dma_start3A_97 = arith.constant 0 : i32
    %dma_start3A_98 = tpu.memref_slice %arg21[%dma_start3A_97] : memref<10240xf32, #tpu.memory_space<vmem_shared>> -> memref<10240xf32, #tpu.memory_space<vmem_shared>>
    tpu.enqueue_indirect_dma source(%arg22 : memref<128xf32, #tpu.memory_space<vmem>>) target(%dma_start3A_98 : memref<10240xf32, #tpu.memory_space<vmem_shared>>) offsets(%arg13 : memref<128xi32, #tpu.memory_space<vmem>>) semaphore(%arg23 : memref<!tpu.dma_semaphore, #tpu.memory_space<semaphore_mem>>) {add = true}
    %scan3A = arith.constant 0 : i32
    %scan3A_99 = arith.constant 0 : i32
    %scan3A_100 = arith.constant 39 : i32
    %scan3A_101 = arith.addi %scan3A_99, %scan3A_100 : i32
    %scan3A_102 = arith.constant 1 : i32
    scf.for %scan3A_167 = %scan3A_99 to %scan3A_101 step %scan3A_102  : i32 {
      %mul3A_168 = arith.constant 2 : i32
      %mul3A_169 = arith.muli %mul3A_168, %scan3A_167 : i32
      %add3A_170 = arith.constant 1 : i32
      %add3A_171 = arith.addi %mul3A_169, %add3A_170 : i32
      %dma_wait3A_172 = arith.constant 0 : i32
      %dma_wait3A_173 = arith.constant 0 : i32
      %dma_wait3A_174 = tpu.memref_slice %arg9[%dma_wait3A_172, %dma_wait3A_173] : memref<10240x128xf32, #tpu.memory_space<vmem_shared>> -> memref<10240x128xf32, #tpu.memory_space<vmem_shared>>
      tpu.wait_indirect_dma semaphore(%arg19 : memref<!tpu.dma_semaphore, #tpu.memory_space<semaphore_mem>>) src(%arg15 : memref<128x128xf32, #tpu.memory_space<vmem>>) dst(%dma_wait3A_174 : memref<10240x128xf32, #tpu.memory_space<vmem_shared>>)
      %dma_wait3A_175 = arith.constant 0 : i32
      %dma_wait3A_176 = tpu.memref_slice %arg21[%dma_wait3A_175] : memref<10240xf32, #tpu.memory_space<vmem_shared>> -> memref<10240xf32, #tpu.memory_space<vmem_shared>>
      tpu.wait_indirect_dma semaphore(%arg23 : memref<!tpu.dma_semaphore, #tpu.memory_space<semaphore_mem>>) src(%arg22 : memref<128xf32, #tpu.memory_space<vmem>>) dst(%dma_wait3A_176 : memref<10240xf32, #tpu.memory_space<vmem_shared>>)
      %add3A_177 = arith.constant 1 : i32
      %add3A_178 = arith.addi %add3A_171, %add3A_177 : i32
      %min3A_179 = arith.constant 79 : i32
      %min3A_180 = arith.minsi %add3A_178, %min3A_179 : i32
      %get3A_181 = arith.index_cast %min3A_180 : i32 to index
      %get3A_182 = arith.constant 0 : index
      %get3A_183 = tpu.vector_load %arg10[%get3A_181, %get3A_182] {strides = array<i32>} : memref<80x128xi32, #tpu.memory_space<vmem>>, vector<1x128xi32>,
      %get3A_184 = vector.shape_cast %get3A_183 : vector<1x128xi32> to vector<128xi32>
      %and3A_185 = arith.constant 65535 : i32
      %and3A_186 = vector.broadcast %and3A_185 : i32 to vector<128xi32>
      %and3A_187 = arith.andi %get3A_184, %and3A_186 : vector<128xi32>
      %swap3A_188 = arith.constant 0 : index
      %swap3A_189 = tpu.vector_load %arg11[%swap3A_188] {strides = array<i32>} : memref<128xi32, #tpu.memory_space<vmem>>, vector<128xi32>,
      %swap3A_190 = vector.shape_cast %swap3A_189 : vector<128xi32> to vector<128xi32>
      %swap3A_191 = vector.shape_cast %and3A_187 : vector<128xi32> to vector<128xi32>
      tpu.vector_store %arg11[%swap3A_188], %swap3A_191 {strides = array<i32>} : memref<128xi32, #tpu.memory_space<vmem>>, vector<128xi32>,
      %dma_start3A_192 = arith.constant 0 : i32
      %dma_start3A_193 = arith.constant 0 : i32
      %dma_start3A_194 = tpu.memref_slice %arg2[%dma_start3A_192, %dma_start3A_193] : memref<10240x128xf32, #tpu.memory_space<hbm>> -> memref<10240x128xf32, #tpu.memory_space<hbm>>
      tpu.enqueue_indirect_dma source(%dma_start3A_194 : memref<10240x128xf32, #tpu.memory_space<hbm>>) target(%arg15 : memref<128x128xf32, #tpu.memory_space<vmem>>) offsets(%arg11 : memref<128xi32, #tpu.memory_space<vmem>>) semaphore(%arg17 : memref<!tpu.dma_semaphore, #tpu.memory_space<semaphore_mem>>)
      %dma_wait3A_195 = arith.constant 0 : i32
      %dma_wait3A_196 = arith.constant 0 : i32
      %dma_wait3A_197 = tpu.memref_slice %arg2[%dma_wait3A_195, %dma_wait3A_196] : memref<10240x128xf32, #tpu.memory_space<hbm>> -> memref<10240x128xf32, #tpu.memory_space<hbm>>
      tpu.wait_indirect_dma semaphore(%arg18 : memref<!tpu.dma_semaphore, #tpu.memory_space<semaphore_mem>>) src(%dma_wait3A_197 : memref<10240x128xf32, #tpu.memory_space<hbm>>) dst(%arg16 : memref<128x128xf32, #tpu.memory_space<vmem>>)
      %min3A_198 = arith.constant 79 : i32
      %min3A_199 = arith.minsi %add3A_171, %min3A_198 : i32
      %get3A_200 = arith.index_cast %min3A_199 : i32 to index
      %get3A_201 = arith.constant 0 : index
      %get3A_202 = tpu.vector_load %arg10[%get3A_200, %get3A_201] {strides = array<i32>} : memref<80x128xi32, #tpu.memory_space<vmem>>, vector<1x128xi32>,
      %get3A_203 = vector.shape_cast %get3A_202 : vector<1x128xi32> to vector<128xi32>
      %shift_right_arithmetic3A_204 = arith.constant 16 : i32
      %shift_right_arithmetic3A_205 = vector.broadcast %shift_right_arithmetic3A_204 : i32 to vector<128xi32>
      %shift_right_arithmetic3A_206 = arith.shrsi %get3A_203, %shift_right_arithmetic3A_205 : vector<128xi32>
      %swap3A_207 = arith.constant 0 : index
      %swap3A_208 = tpu.vector_load %arg14[%swap3A_207] {strides = array<i32>} : memref<128xi32, #tpu.memory_space<vmem>>, vector<128xi32>,
      %swap3A_209 = vector.shape_cast %swap3A_208 : vector<128xi32> to vector<128xi32>
      %swap3A_210 = vector.shape_cast %shift_right_arithmetic3A_206 : vector<128xi32> to vector<128xi32>
      tpu.vector_store %arg14[%swap3A_207], %swap3A_210 {strides = array<i32>} : memref<128xi32, #tpu.memory_space<vmem>>, vector<128xi32>,
      %dma_start3A_211 = arith.constant 0 : i32
      %dma_start3A_212 = arith.constant 0 : i32
      %dma_start3A_213 = tpu.memref_slice %arg9[%dma_start3A_211, %dma_start3A_212] : memref<10240x128xf32, #tpu.memory_space<vmem_shared>> -> memref<10240x128xf32, #tpu.memory_space<vmem_shared>>
      tpu.enqueue_indirect_dma source(%arg16 : memref<128x128xf32, #tpu.memory_space<vmem>>) target(%dma_start3A_213 : memref<10240x128xf32, #tpu.memory_space<vmem_shared>>) offsets(%arg14 : memref<128xi32, #tpu.memory_space<vmem>>) semaphore(%arg20 : memref<!tpu.dma_semaphore, #tpu.memory_space<semaphore_mem>>) {add = true}
      %dma_start3A_214 = arith.constant 0 : i32
      %dma_start3A_215 = tpu.memref_slice %arg21[%dma_start3A_214] : memref<10240xf32, #tpu.memory_space<vmem_shared>> -> memref<10240xf32, #tpu.memory_space<vmem_shared>>
      tpu.enqueue_indirect_dma source(%arg22 : memref<128xf32, #tpu.memory_space<vmem>>) target(%dma_start3A_215 : memref<10240xf32, #tpu.memory_space<vmem_shared>>) offsets(%arg14 : memref<128xi32, #tpu.memory_space<vmem>>) semaphore(%arg24 : memref<!tpu.dma_semaphore, #tpu.memory_space<semaphore_mem>>) {add = true}
      %mul3A_216 = arith.constant 2 : i32
      %mul3A_217 = arith.muli %mul3A_216, %scan3A_167 : i32
      %add3A_218 = arith.constant 2 : i32
      %add3A_219 = arith.addi %mul3A_217, %add3A_218 : i32
      %dma_wait3A_220 = arith.constant 0 : i32
      %dma_wait3A_221 = arith.constant 0 : i32
      %dma_wait3A_222 = tpu.memref_slice %arg9[%dma_wait3A_220, %dma_wait3A_221] : memref<10240x128xf32, #tpu.memory_space<vmem_shared>> -> memref<10240x128xf32, #tpu.memory_space<vmem_shared>>
      tpu.wait_indirect_dma semaphore(%arg20 : memref<!tpu.dma_semaphore, #tpu.memory_space<semaphore_mem>>) src(%arg16 : memref<128x128xf32, #tpu.memory_space<vmem>>) dst(%dma_wait3A_222 : memref<10240x128xf32, #tpu.memory_space<vmem_shared>>)
      %dma_wait3A_223 = arith.constant 0 : i32
      %dma_wait3A_224 = tpu.memref_slice %arg21[%dma_wait3A_223] : memref<10240xf32, #tpu.memory_space<vmem_shared>> -> memref<10240xf32, #tpu.memory_space<vmem_shared>>
      tpu.wait_indirect_dma semaphore(%arg24 : memref<!tpu.dma_semaphore, #tpu.memory_space<semaphore_mem>>) src(%arg22 : memref<128xf32, #tpu.memory_space<vmem>>) dst(%dma_wait3A_224 : memref<10240xf32, #tpu.memory_space<vmem_shared>>)
      %add3A_225 = arith.constant 1 : i32
      %add3A_226 = arith.addi %add3A_219, %add3A_225 : i32
      %min3A_227 = arith.constant 79 : i32
      %min3A_228 = arith.minsi %add3A_226, %min3A_227 : i32
      %get3A_229 = arith.index_cast %min3A_228 : i32 to index
      %get3A_230 = arith.constant 0 : index
      %get3A_231 = tpu.vector_load %arg10[%get3A_229, %get3A_230] {strides = array<i32>} : memref<80x128xi32, #tpu.memory_space<vmem>>, vector<1x128xi32>,
      %get3A_232 = vector.shape_cast %get3A_231 : vector<1x128xi32> to vector<128xi32>
      %and3A_233 = arith.constant 65535 : i32
      %and3A_234 = vector.broadcast %and3A_233 : i32 to vector<128xi32>
      %and3A_235 = arith.andi %get3A_232, %and3A_234 : vector<128xi32>
      %swap3A_236 = arith.constant 0 : index
      %swap3A_237 = tpu.vector_load %arg12[%swap3A_236] {strides = array<i32>} : memref<128xi32, #tpu.memory_space<vmem>>, vector<128xi32>,
      %swap3A_238 = vector.shape_cast %swap3A_237 : vector<128xi32> to vector<128xi32>
      %swap3A_239 = vector.shape_cast %and3A_235 : vector<128xi32> to vector<128xi32>
      tpu.vector_store %arg12[%swap3A_236], %swap3A_239 {strides = array<i32>} : memref<128xi32, #tpu.memory_space<vmem>>, vector<128xi32>,
      %dma_start3A_240 = arith.constant 0 : i32
      %dma_start3A_241 = arith.constant 0 : i32
      %dma_start3A_242 = tpu.memref_slice %arg2[%dma_start3A_240, %dma_start3A_241] : memref<10240x128xf32, #tpu.memory_space<hbm>> -> memref<10240x128xf32, #tpu.memory_space<hbm>>
      tpu.enqueue_indirect_dma source(%dma_start3A_242 : memref<10240x128xf32, #tpu.memory_space<hbm>>) target(%arg16 : memref<128x128xf32, #tpu.memory_space<vmem>>) offsets(%arg12 : memref<128xi32, #tpu.memory_space<vmem>>) semaphore(%arg18 : memref<!tpu.dma_semaphore, #tpu.memory_space<semaphore_mem>>)
      %dma_wait3A_243 = arith.constant 0 : i32
      %dma_wait3A_244 = arith.constant 0 : i32
      %dma_wait3A_245 = tpu.memref_slice %arg2[%dma_wait3A_243, %dma_wait3A_244] : memref<10240x128xf32, #tpu.memory_space<hbm>> -> memref<10240x128xf32, #tpu.memory_space<hbm>>
      tpu.wait_indirect_dma semaphore(%arg17 : memref<!tpu.dma_semaphore, #tpu.memory_space<semaphore_mem>>) src(%dma_wait3A_245 : memref<10240x128xf32, #tpu.memory_space<hbm>>) dst(%arg15 : memref<128x128xf32, #tpu.memory_space<vmem>>)
      %min3A_246 = arith.constant 79 : i32
      %min3A_247 = arith.minsi %add3A_219, %min3A_246 : i32
      %get3A_248 = arith.index_cast %min3A_247 : i32 to index
      %get3A_249 = arith.constant 0 : index
      %get3A_250 = tpu.vector_load %arg10[%get3A_248, %get3A_249] {strides = array<i32>} : memref<80x128xi32, #tpu.memory_space<vmem>>, vector<1x128xi32>,
      %get3A_251 = vector.shape_cast %get3A_250 : vector<1x128xi32> to vector<128xi32>
      %shift_right_arithmetic3A_252 = arith.constant 16 : i32
      %shift_right_arithmetic3A_253 = vector.broadcast %shift_right_arithmetic3A_252 : i32 to vector<128xi32>
      %shift_right_arithmetic3A_254 = arith.shrsi %get3A_251, %shift_right_arithmetic3A_253 : vector<128xi32>
      %swap3A_255 = arith.constant 0 : index
      %swap3A_256 = tpu.vector_load %arg13[%swap3A_255] {strides = array<i32>} : memref<128xi32, #tpu.memory_space<vmem>>, vector<128xi32>,
      %swap3A_257 = vector.shape_cast %swap3A_256 : vector<128xi32> to vector<128xi32>
      %swap3A_258 = vector.shape_cast %shift_right_arithmetic3A_254 : vector<128xi32> to vector<128xi32>
      tpu.vector_store %arg13[%swap3A_255], %swap3A_258 {strides = array<i32>} : memref<128xi32, #tpu.memory_space<vmem>>, vector<128xi32>,
      %dma_start3A_259 = arith.constant 0 : i32
      %dma_start3A_260 = arith.constant 0 : i32
      %dma_start3A_261 = tpu.memref_slice %arg9[%dma_start3A_259, %dma_start3A_260] : memref<10240x128xf32, #tpu.memory_space<vmem_shared>> -> memref<10240x128xf32, #tpu.memory_space<vmem_shared>>
      tpu.enqueue_indirect_dma source(%arg15 : memref<128x128xf32, #tpu.memory_space<vmem>>) target(%dma_start3A_261 : memref<10240x128xf32, #tpu.memory_space<vmem_shared>>) offsets(%arg13 : memref<128xi32, #tpu.memory_space<vmem>>) semaphore(%arg19 : memref<!tpu.dma_semaphore, #tpu.memory_space<semaphore_mem>>) {add = true}
      %dma_start3A_262 = arith.constant 0 : i32
      %dma_start3A_263 = tpu.memref_slice %arg21[%dma_start3A_262] : memref<10240xf32, #tpu.memory_space<vmem_shared>> -> memref<10240xf32, #tpu.memory_space<vmem_shared>>
      tpu.enqueue_indirect_dma source(%arg22 : memref<128xf32, #tpu.memory_space<vmem>>) target(%dma_start3A_263 : memref<10240xf32, #tpu.memory_space<vmem_shared>>) offsets(%arg13 : memref<128xi32, #tpu.memory_space<vmem>>) semaphore(%arg23 : memref<!tpu.dma_semaphore, #tpu.memory_space<semaphore_mem>>) {add = true}
    }
    %scan3A_103 = arith.constant 39 : i32
    %dma_wait3A_104 = arith.constant 0 : i32
    %dma_wait3A_105 = arith.constant 0 : i32
    %dma_wait3A_106 = tpu.memref_slice %arg9[%dma_wait3A_104, %dma_wait3A_105] : memref<10240x128xf32, #tpu.memory_space<vmem_shared>> -> memref<10240x128xf32, #tpu.memory_space<vmem_shared>>
    tpu.wait_indirect_dma semaphore(%arg19 : memref<!tpu.dma_semaphore, #tpu.memory_space<semaphore_mem>>) src(%arg15 : memref<128x128xf32, #tpu.memory_space<vmem>>) dst(%dma_wait3A_106 : memref<10240x128xf32, #tpu.memory_space<vmem_shared>>)
    %dma_wait3A_107 = arith.constant 0 : i32
    %dma_wait3A_108 = tpu.memref_slice %arg21[%dma_wait3A_107] : memref<10240xf32, #tpu.memory_space<vmem_shared>> -> memref<10240xf32, #tpu.memory_space<vmem_shared>>
    tpu.wait_indirect_dma semaphore(%arg23 : memref<!tpu.dma_semaphore, #tpu.memory_space<semaphore_mem>>) src(%arg22 : memref<128xf32, #tpu.memory_space<vmem>>) dst(%dma_wait3A_108 : memref<10240xf32, #tpu.memory_space<vmem_shared>>)
    %min3A_109 = arith.constant 80 : i32
    %min3A_110 = arith.constant 79 : i32
    %min3A_111 = arith.minsi %min3A_109, %min3A_110 : i32
    %get3A_112 = arith.index_cast %min3A_111 : i32 to index
    %get3A_113 = arith.constant 0 : index
    %get3A_114 = tpu.vector_load %arg10[%get3A_112, %get3A_113] {strides = array<i32>} : memref<80x128xi32, #tpu.memory_space<vmem>>, vector<1x128xi32>,
    %get3A_115 = vector.shape_cast %get3A_114 : vector<1x128xi32> to vector<128xi32>
    %and3A_116 = arith.constant 65535 : i32
    %and3A_117 = vector.broadcast %and3A_116 : i32 to vector<128xi32>
    %and3A_118 = arith.andi %get3A_115, %and3A_117 : vector<128xi32>
    %swap3A_119 = arith.constant 0 : index
    %swap3A_120 = tpu.vector_load %arg11[%swap3A_119] {strides = array<i32>} : memref<128xi32, #tpu.memory_space<vmem>>, vector<128xi32>,
    %swap3A_121 = vector.shape_cast %swap3A_120 : vector<128xi32> to vector<128xi32>
    %swap3A_122 = vector.shape_cast %and3A_118 : vector<128xi32> to vector<128xi32>
    tpu.vector_store %arg11[%swap3A_119], %swap3A_122 {strides = array<i32>} : memref<128xi32, #tpu.memory_space<vmem>>, vector<128xi32>,
    %dma_start3A_123 = arith.constant 0 : i32
    %dma_start3A_124 = arith.constant 0 : i32
    %dma_start3A_125 = tpu.memref_slice %arg2[%dma_start3A_123, %dma_start3A_124] : memref<10240x128xf32, #tpu.memory_space<hbm>> -> memref<10240x128xf32, #tpu.memory_space<hbm>>
    tpu.enqueue_indirect_dma source(%dma_start3A_125 : memref<10240x128xf32, #tpu.memory_space<hbm>>) target(%arg15 : memref<128x128xf32, #tpu.memory_space<vmem>>) offsets(%arg11 : memref<128xi32, #tpu.memory_space<vmem>>) semaphore(%arg17 : memref<!tpu.dma_semaphore, #tpu.memory_space<semaphore_mem>>)
    %dma_wait3A_126 = arith.constant 0 : i32
    %dma_wait3A_127 = arith.constant 0 : i32
    %dma_wait3A_128 = tpu.memref_slice %arg2[%dma_wait3A_126, %dma_wait3A_127] : memref<10240x128xf32, #tpu.memory_space<hbm>> -> memref<10240x128xf32, #tpu.memory_space<hbm>>
    tpu.wait_indirect_dma semaphore(%arg18 : memref<!tpu.dma_semaphore, #tpu.memory_space<semaphore_mem>>) src(%dma_wait3A_128 : memref<10240x128xf32, #tpu.memory_space<hbm>>) dst(%arg16 : memref<128x128xf32, #tpu.memory_space<vmem>>)
    %min3A_129 = arith.constant 79 : i32
    %min3A_130 = arith.constant 79 : i32
    %min3A_131 = arith.minsi %min3A_129, %min3A_130 : i32
    %get3A_132 = arith.index_cast %min3A_131 : i32 to index
    %get3A_133 = arith.constant 0 : index
    %get3A_134 = tpu.vector_load %arg10[%get3A_132, %get3A_133] {strides = array<i32>} : memref<80x128xi32, #tpu.memory_space<vmem>>, vector<1x128xi32>,
    %get3A_135 = vector.shape_cast %get3A_134 : vector<1x128xi32> to vector<128xi32>
    %shift_right_arithmetic3A_136 = arith.constant 16 : i32
    %shift_right_arithmetic3A_137 = vector.broadcast %shift_right_arithmetic3A_136 : i32 to vector<128xi32>
    %shift_right_arithmetic3A_138 = arith.shrsi %get3A_135, %shift_right_arithmetic3A_137 : vector<128xi32>
    %swap3A_139 = arith.constant 0 : index
    %swap3A_140 = tpu.vector_load %arg14[%swap3A_139] {strides = array<i32>} : memref<128xi32, #tpu.memory_space<vmem>>, vector<128xi32>,
    %swap3A_141 = vector.shape_cast %swap3A_140 : vector<128xi32> to vector<128xi32>
    %swap3A_142 = vector.shape_cast %shift_right_arithmetic3A_138 : vector<128xi32> to vector<128xi32>
    tpu.vector_store %arg14[%swap3A_139], %swap3A_142 {strides = array<i32>} : memref<128xi32, #tpu.memory_space<vmem>>, vector<128xi32>,
    %dma_start3A_143 = arith.constant 0 : i32
    %dma_start3A_144 = arith.constant 0 : i32
    %dma_start3A_145 = tpu.memref_slice %arg9[%dma_start3A_143, %dma_start3A_144] : memref<10240x128xf32, #tpu.memory_space<vmem_shared>> -> memref<10240x128xf32, #tpu.memory_space<vmem_shared>>
    tpu.enqueue_indirect_dma source(%arg16 : memref<128x128xf32, #tpu.memory_space<vmem>>) target(%dma_start3A_145 : memref<10240x128xf32, #tpu.memory_space<vmem_shared>>) offsets(%arg14 : memref<128xi32, #tpu.memory_space<vmem>>) semaphore(%arg20 : memref<!tpu.dma_semaphore, #tpu.memory_space<semaphore_mem>>) {add = true}
    %dma_start3A_146 = arith.constant 0 : i32
    %dma_start3A_147 = tpu.memref_slice %arg21[%dma_start3A_146] : memref<10240xf32, #tpu.memory_space<vmem_shared>> -> memref<10240xf32, #tpu.memory_space<vmem_shared>>
    tpu.enqueue_indirect_dma source(%arg22 : memref<128xf32, #tpu.memory_space<vmem>>) target(%dma_start3A_147 : memref<10240xf32, #tpu.memory_space<vmem_shared>>) offsets(%arg14 : memref<128xi32, #tpu.memory_space<vmem>>) semaphore(%arg24 : memref<!tpu.dma_semaphore, #tpu.memory_space<semaphore_mem>>) {add = true}
    %dma_wait3A_148 = arith.constant 0 : i32
    %dma_wait3A_149 = arith.constant 0 : i32
    %dma_wait3A_150 = tpu.memref_slice %arg2[%dma_wait3A_148, %dma_wait3A_149] : memref<10240x128xf32, #tpu.memory_space<hbm>> -> memref<10240x128xf32, #tpu.memory_space<hbm>>
    tpu.wait_indirect_dma semaphore(%arg17 : memref<!tpu.dma_semaphore, #tpu.memory_space<semaphore_mem>>) src(%dma_wait3A_150 : memref<10240x128xf32, #tpu.memory_space<hbm>>) dst(%arg15 : memref<128x128xf32, #tpu.memory_space<vmem>>)
    %dma_wait3A_151 = arith.constant 0 : i32
    %dma_wait3A_152 = arith.constant 0 : i32
    %dma_wait3A_153 = tpu.memref_slice %arg9[%dma_wait3A_151, %dma_wait3A_152] : memref<10240x128xf32, #tpu.memory_space<vmem_shared>> -> memref<10240x128xf32, #tpu.memory_space<vmem_shared>>
    tpu.wait_indirect_dma semaphore(%arg20 : memref<!tpu.dma_semaphore, #tpu.memory_space<semaphore_mem>>) src(%arg16 : memref<128x128xf32, #tpu.memory_space<vmem>>) dst(%dma_wait3A_153 : memref<10240x128xf32, #tpu.memory_space<vmem_shared>>)
    %dma_wait3A_154 = arith.constant 0 : i32
    %dma_wait3A_155 = tpu.memref_slice %arg21[%dma_wait3A_154] : memref<10240xf32, #tpu.memory_space<vmem_shared>> -> memref<10240xf32, #tpu.memory_space<vmem_shared>>
    tpu.wait_indirect_dma semaphore(%arg24 : memref<!tpu.dma_semaphore, #tpu.memory_space<semaphore_mem>>) src(%arg22 : memref<128xf32, #tpu.memory_space<vmem>>) dst(%dma_wait3A_155 : memref<10240xf32, #tpu.memory_space<vmem_shared>>)
    %barrier3A_156 = arith.constant 0 : index
    tpu.barrier barrier_id(%barrier3A_156)
    "tpu.region"() ({
      %run_scoped3A = tpu.sem_alloc : memref<!tpu.dma_semaphore, #tpu.memory_space<semaphore_mem>>
      %dma_start3A_167 = arith.constant 0 : i32
      %dma_start3A_168 = tpu.memref_slice %arg6[%arg0, %mul3A_2, %dma_start3A_167] : memref<2x10240x128xf32, #tpu.memory_space<hbm>> -> memref<1x640x128xf32, #tpu.memory_space<hbm>>
      %dma_start3A_169 = tpu.memref_squeeze %dma_start3A_168 : memref<1x640x128xf32, #tpu.memory_space<hbm>> -> memref<640x128xf32, #tpu.memory_space<hbm>>
      %dma_start3A_170 = arith.constant 0 : i32
      %dma_start3A_171 = tpu.memref_slice %arg9[%mul3A_2, %dma_start3A_170] : memref<10240x128xf32, #tpu.memory_space<vmem_shared>> -> memref<640x128xf32, #tpu.memory_space<vmem_shared>>
      tpu.enqueue_dma source(%dma_start3A_171 : memref<640x128xf32, #tpu.memory_space<vmem_shared>>) target(%dma_start3A_169 : memref<640x128xf32, #tpu.memory_space<hbm>>) target_semaphore(%run_scoped3A : memref<!tpu.dma_semaphore, #tpu.memory_space<semaphore_mem>>)
      %dma_wait3A_172 = arith.constant 0 : i32
      %dma_wait3A_173 = tpu.memref_slice %arg6[%arg0, %mul3A_2, %dma_wait3A_172] : memref<2x10240x128xf32, #tpu.memory_space<hbm>> -> memref<1x640x128xf32, #tpu.memory_space<hbm>>
      %dma_wait3A_174 = tpu.memref_squeeze %dma_wait3A_173 : memref<1x640x128xf32, #tpu.memory_space<hbm>> -> memref<640x128xf32, #tpu.memory_space<hbm>>
      %dma_wait3A_175 = arith.constant 0 : i32
      %dma_wait3A_176 = tpu.memref_slice %arg9[%mul3A_2, %dma_wait3A_175] : memref<10240x128xf32, #tpu.memory_space<vmem_shared>> -> memref<640x128xf32, #tpu.memory_space<vmem_shared>>
      tpu.wait_dma2 semaphore(%run_scoped3A : memref<!tpu.dma_semaphore, #tpu.memory_space<semaphore_mem>>) src(%dma_wait3A_176 : memref<640x128xf32, #tpu.memory_space<vmem_shared>>) dst(%dma_wait3A_174 : memref<640x128xf32, #tpu.memory_space<hbm>>)
      tpu.yield
    }) : () -> ()
    %eq3A_157 = arith.constant 0 : i32
    %eq3A_158 = arith.cmpi eq, %arg0, %eq3A_157 : i32
    %convert_element_type3A_159 = arith.extui %eq3A_158 : i1 to i32
    %cond3A_160 = arith.constant 0 : i32
    %cond3A_161 = arith.cmpi ne, %convert_element_type3A_159, %cond3A_160 : i32
    scf.if %cond3A_161 {
      "tpu.region"() ({
        %run_scoped3A = tpu.sem_alloc : memref<!tpu.dma_semaphore, #tpu.memory_space<semaphore_mem>>
        %dma_start3A_167 = tpu.memref_slice %arg7[%mul3A_2] : memref<10240xf32, #tpu.memory_space<hbm>> -> memref<640xf32, #tpu.memory_space<hbm>>
        %dma_start3A_168 = tpu.memref_slice %arg21[%mul3A_2] : memref<10240xf32, #tpu.memory_space<vmem_shared>> -> memref<640xf32, #tpu.memory_space<vmem_shared>>
        tpu.enqueue_dma source(%dma_start3A_168 : memref<640xf32, #tpu.memory_space<vmem_shared>>) target(%dma_start3A_167 : memref<640xf32, #tpu.memory_space<hbm>>) target_semaphore(%run_scoped3A : memref<!tpu.dma_semaphore, #tpu.memory_space<semaphore_mem>>)
        %dma_wait3A_169 = tpu.memref_slice %arg7[%mul3A_2] : memref<10240xf32, #tpu.memory_space<hbm>> -> memref<640xf32, #tpu.memory_space<hbm>>
        %dma_wait3A_170 = tpu.memref_slice %arg21[%mul3A_2] : memref<10240xf32, #tpu.memory_space<vmem_shared>> -> memref<640xf32, #tpu.memory_space<vmem_shared>>
        tpu.wait_dma2 semaphore(%run_scoped3A : memref<!tpu.dma_semaphore, #tpu.memory_space<semaphore_mem>>) src(%dma_wait3A_170 : memref<640xf32, #tpu.memory_space<vmem_shared>>) dst(%dma_wait3A_169 : memref<640xf32, #tpu.memory_space<hbm>>)
        tpu.yield
      }) : () -> ()
    } else {
    }
    %eq3A_162 = arith.constant 1 : i32
    %eq3A_163 = arith.cmpi eq, %arg0, %eq3A_162 : i32
    %convert_element_type3A_164 = arith.extui %eq3A_163 : i1 to i32
    %cond3A_165 = arith.constant 0 : i32
    %cond3A_166 = arith.cmpi ne, %convert_element_type3A_164, %cond3A_165 : i32
    scf.if %cond3A_166 {
      "tpu.region"() ({
        %run_scoped3A = tpu.sem_alloc : memref<!tpu.dma_semaphore, #tpu.memory_space<semaphore_mem>>
        %dma_start3A_167 = tpu.memref_slice %arg8[%mul3A_2] : memref<10240xf32, #tpu.memory_space<hbm>> -> memref<640xf32, #tpu.memory_space<hbm>>
        %dma_start3A_168 = tpu.memref_slice %arg21[%mul3A_2] : memref<10240xf32, #tpu.memory_space<vmem_shared>> -> memref<640xf32, #tpu.memory_space<vmem_shared>>
        tpu.enqueue_dma source(%dma_start3A_168 : memref<640xf32, #tpu.memory_space<vmem_shared>>) target(%dma_start3A_167 : memref<640xf32, #tpu.memory_space<hbm>>) target_semaphore(%run_scoped3A : memref<!tpu.dma_semaphore, #tpu.memory_space<semaphore_mem>>)
        %dma_wait3A_169 = tpu.memref_slice %arg8[%mul3A_2] : memref<10240xf32, #tpu.memory_space<hbm>> -> memref<640xf32, #tpu.memory_space<hbm>>
        %dma_wait3A_170 = tpu.memref_slice %arg21[%mul3A_2] : memref<10240xf32, #tpu.memory_space<vmem_shared>> -> memref<640xf32, #tpu.memory_space<vmem_shared>>
        tpu.wait_dma2 semaphore(%run_scoped3A : memref<!tpu.dma_semaphore, #tpu.memory_space<semaphore_mem>>) src(%dma_wait3A_170 : memref<640xf32, #tpu.memory_space<vmem_shared>>) dst(%dma_wait3A_169 : memref<640xf32, #tpu.memory_space<hbm>>)
        tpu.yield
      }) : () -> ()
    } else {
    }
    return
  }
}

module attributes {stable_mosaic.version = 14 : i64} {
  func.func @_dense_body(%arg0: i32, %arg1: memref<2x1024x128xf32, #tpu.memory_space<vmem>>, %arg2: memref<8x128xf32, #tpu.memory_space<vmem>>, %arg3: memref<8x128xf32, #tpu.memory_space<vmem>>, %arg4: memref<1024x128xf32, #tpu.memory_space<vmem>>, %arg5: memref<128x128xf32, #tpu.memory_space<vmem>>, %arg6: memref<1x128xf32, #tpu.memory_space<vmem>>, %arg7: memref<128x128xf32, #tpu.memory_space<vmem>>, %arg8: memref<1024x128xf32, #tpu.memory_space<vmem>>) attributes {dimension_semantics = [#tpu.dimension_semantics<arbitrary>], iteration_bounds = array<i64: 10>, scalar_prefetch = 0 : i64, scratch_operands = 0 : i64, tpu.core_type = #tpu.core_type<tc>, window_params = [{transform_indices = @transform_0, window_bounds = array<i64: 2, 1024, 128>}, {transform_indices = @transform_1, window_bounds = array<i64: 8, 128>}, {transform_indices = @transform_2, window_bounds = array<i64: 8, 128>}, {transform_indices = @transform_3, window_bounds = array<i64: 1024, 128>}, {pipeline_mode = #tpu.pipeline_mode<synchronous>, transform_indices = @transform_4, window_bounds = array<i64: 128, 128>}, {pipeline_mode = #tpu.pipeline_mode<synchronous>, transform_indices = @transform_5, window_bounds = array<i64: 1, 128>}, {pipeline_mode = #tpu.pipeline_mode<synchronous>, transform_indices = @transform_6, window_bounds = array<i64: 128, 128>}, {transform_indices = @transform_7, window_bounds = array<i64: 1024, 128>}]} {
    %get3A = arith.constant 0 : index
    %get3A_0 = arith.constant 0 : index
    %get3A_1 = arith.constant 0 : index
    %get3A_2 = vector.load %arg1[%get3A, %get3A_0, %get3A_1] : memref<2x1024x128xf32, #tpu.memory_space<vmem>>, vector<1x1024x128xf32>
    %get3A_3 = vector.shape_cast %get3A_2 : vector<1x1024x128xf32> to vector<1024x128xf32>
    %get3A_4 = arith.constant 1 : index
    %get3A_5 = arith.constant 0 : index
    %get3A_6 = arith.constant 0 : index
    %get3A_7 = vector.load %arg1[%get3A_4, %get3A_5, %get3A_6] : memref<2x1024x128xf32, #tpu.memory_space<vmem>>, vector<1x1024x128xf32>
    %get3A_8 = vector.shape_cast %get3A_7 : vector<1x1024x128xf32> to vector<1024x128xf32>
    %add3A = arith.addf %get3A_3, %get3A_8 : vector<1024x128xf32>
    %get3A_9 = arith.constant 0 : index
    %get3A_10 = arith.constant 0 : index
    %get3A_11 = vector.load %arg2[%get3A_9, %get3A_10] : memref<8x128xf32, #tpu.memory_space<vmem>>, vector<8x128xf32>
    %get3A_12 = arith.constant 0 : index
    %get3A_13 = arith.constant 0 : index
    %get3A_14 = vector.load %arg3[%get3A_12, %get3A_13] : memref<8x128xf32, #tpu.memory_space<vmem>>, vector<8x128xf32>
    %add3A_15 = arith.addf %get3A_11, %get3A_14 : vector<8x128xf32>
    %max3A = arith.constant 1.000000e+00 : f32
    %max3A_16 = vector.broadcast %max3A : f32 to vector<8x128xf32>
    %max3A_17 = arith.maximumf %add3A_15, %max3A_16 : vector<8x128xf32>
    %div3A = arith.constant 1.000000e+00 : f32
    %div3A_18 = vector.broadcast %div3A : f32 to vector<8x128xf32>
    %div3A_19 = arith.divf %div3A_18, %max3A_17 : vector<8x128xf32>
    %reshape3A = vector.shape_cast %add3A : vector<1024x128xf32> to vector<8x128x128xf32>
    %broadcast_in_dim3A = vector.shape_cast %div3A_19 : vector<8x128xf32> to vector<8x128x1xf32>
    %mul3A = vector.broadcast %broadcast_in_dim3A : vector<8x128x1xf32> to vector<8x128x128xf32>
    %mul3A_20 = arith.mulf %reshape3A, %mul3A : vector<8x128x128xf32>
    %reshape3A_21 = vector.shape_cast %mul3A_20 : vector<8x128x128xf32> to vector<1024x128xf32>
    %get3A_22 = arith.constant 0 : index
    %get3A_23 = arith.constant 0 : index
    %get3A_24 = vector.load %arg5[%get3A_22, %get3A_23] : memref<128x128xf32, #tpu.memory_space<vmem>>, vector<128x128xf32>
    %dot_general3A = arith.constant dense<0.000000e+00> : vector<1024x128xf32>
    %dot_general3A_25 = tpu.matmul %reshape3A_21, %get3A_24, %dot_general3A {dimension_numbers = #tpu.dot_dimension_numbers<[1], [1], [0], [0], [0, 0, 1, 0], [], []>, transpose_lhs_hint = false} : vector<1024x128xf32>, vector<128x128xf32>, vector<1024x128xf32> -> vector<1024x128xf32>
    %get3A_26 = arith.constant 0 : index
    %get3A_27 = arith.constant 0 : index
    %get3A_28 = vector.load %arg6[%get3A_26, %get3A_27] : memref<1x128xf32, #tpu.memory_space<vmem>>, vector<1x128xf32>
    %add3A_29 = vector.broadcast %get3A_28 : vector<1x128xf32> to vector<1024x128xf32>
    %add3A_30 = arith.addf %dot_general3A_25, %add3A_29 : vector<1024x128xf32>
    %get3A_31 = arith.constant 0 : index
    %get3A_32 = arith.constant 0 : index
    %get3A_33 = vector.load %arg4[%get3A_31, %get3A_32] : memref<1024x128xf32, #tpu.memory_space<vmem>>, vector<1024x128xf32>
    %get3A_34 = arith.constant 0 : index
    %get3A_35 = arith.constant 0 : index
    %get3A_36 = vector.load %arg7[%get3A_34, %get3A_35] : memref<128x128xf32, #tpu.memory_space<vmem>>, vector<128x128xf32>
    %dot_general3A_37 = arith.constant dense<0.000000e+00> : vector<1024x128xf32>
    %dot_general3A_38 = tpu.matmul %get3A_33, %get3A_36, %dot_general3A_37 {dimension_numbers = #tpu.dot_dimension_numbers<[1], [1], [0], [0], [0, 0, 1, 0], [], []>, transpose_lhs_hint = false} : vector<1024x128xf32>, vector<128x128xf32>, vector<1024x128xf32> -> vector<1024x128xf32>
    %add3A_39 = arith.addf %add3A_30, %dot_general3A_38 : vector<1024x128xf32>
    %gt3A = arith.constant 0.000000e+00 : f32
    %gt3A_40 = vector.broadcast %gt3A : f32 to vector<1024x128xf32>
    %gt3A_41 = arith.cmpf ogt, %add3A_39, %gt3A_40 : vector<1024x128xf32>
    %exp3A = math.exp %add3A_39 : vector<1024x128xf32>
    %sub3A = arith.constant 1.000000e+00 : f32
    %sub3A_42 = vector.broadcast %sub3A : f32 to vector<1024x128xf32>
    %sub3A_43 = arith.subf %exp3A, %sub3A_42 : vector<1024x128xf32>
    %mul3A_44 = arith.constant 1.67326319 : f32
    %mul3A_45 = vector.broadcast %mul3A_44 : f32 to vector<1024x128xf32>
    %mul3A_46 = arith.mulf %mul3A_45, %sub3A_43 : vector<1024x128xf32>
    %select_n3A = arith.select %gt3A_41, %add3A_39, %mul3A_46 : vector<1024x128xi1>, vector<1024x128xf32>
    %mul3A_47 = arith.constant 1.05070102 : f32
    %mul3A_48 = vector.broadcast %mul3A_47 : f32 to vector<1024x128xf32>
    %mul3A_49 = arith.mulf %mul3A_48, %select_n3A : vector<1024x128xf32>
    %swap3A = arith.constant 0 : index
    %swap3A_50 = arith.constant 0 : index
    %swap3A_51 = vector.load %arg8[%swap3A, %swap3A_50] : memref<1024x128xf32, #tpu.memory_space<vmem>>, vector<1024x128xf32>
    tpu.vector_store %arg8[%swap3A, %swap3A_50], %mul3A_49 {strides = array<i32>} : memref<1024x128xf32, #tpu.memory_space<vmem>>, vector<1024x128xf32>,
    return
  }
  func.func @transform_0(%arg0: i32) -> (i32, i32, i32) {
    %c0_i32 = arith.constant 0 : i32
    %c0_i32_0 = arith.constant 0 : i32
    %c0_i32_1 = arith.constant 0 : i32
    return %c0_i32, %arg0, %c0_i32_0 : i32, i32, i32
  }
  func.func @transform_1(%arg0: i32) -> (i32, i32) {
    %c0_i32 = arith.constant 0 : i32
    %c0_i32_0 = arith.constant 0 : i32
    return %arg0, %c0_i32 : i32, i32
  }
  func.func @transform_2(%arg0: i32) -> (i32, i32) {
    %c0_i32 = arith.constant 0 : i32
    %c0_i32_0 = arith.constant 0 : i32
    return %arg0, %c0_i32 : i32, i32
  }
  func.func @transform_3(%arg0: i32) -> (i32, i32) {
    %c0_i32 = arith.constant 0 : i32
    %c0_i32_0 = arith.constant 0 : i32
    return %arg0, %c0_i32 : i32, i32
  }
  func.func @transform_4(%arg0: i32) -> (i32, i32) {
    %c0_i32 = arith.constant 0 : i32
    %c0_i32_0 = arith.constant 0 : i32
    %c0_i32_1 = arith.constant 0 : i32
    return %c0_i32, %c0_i32_0 : i32, i32
  }
  func.func @transform_5(%arg0: i32) -> (i32, i32) {
    %c0_i32 = arith.constant 0 : i32
    %c0_i32_0 = arith.constant 0 : i32
    %c0_i32_1 = arith.constant 0 : i32
    return %c0_i32, %c0_i32_0 : i32, i32
  }
  func.func @transform_6(%arg0: i32) -> (i32, i32) {
    %c0_i32 = arith.constant 0 : i32
    %c0_i32_0 = arith.constant 0 : i32
    %c0_i32_1 = arith.constant 0 : i32
    return %c0_i32, %c0_i32_0 : i32, i32
  }
  func.func @transform_7(%arg0: i32) -> (i32, i32) {
    %c0_i32 = arith.constant 0 : i32
    %c0_i32_0 = arith.constant 0 : i32
    return %arg0, %c0_i32 : i32, i32
  }
}

module attributes {stable_mosaic.version = 14 : i64} {
  func.func @_dense_body(%arg0: i32, %arg1: memref<2x1024x128xf32, #tpu.memory_space<vmem>>, %arg2: memref<8x128xf32, #tpu.memory_space<vmem>>, %arg3: memref<8x128xf32, #tpu.memory_space<vmem>>, %arg4: memref<1024x128xf32, #tpu.memory_space<vmem>>, %arg5: memref<128x128xf32, #tpu.memory_space<vmem>>, %arg6: memref<1x128xf32, #tpu.memory_space<vmem>>, %arg7: memref<128x128xf32, #tpu.memory_space<vmem>>, %arg8: memref<1024x128xf32, #tpu.memory_space<vmem>>) attributes {dimension_semantics = [#tpu.dimension_semantics<arbitrary>], iteration_bounds = array<i64: 10>, scalar_prefetch = 0 : i64, scratch_operands = 0 : i64, tpu.core_type = #tpu.core_type<tc>, window_params = [{transform_indices = @transform_0, window_bounds = array<i64: 2, 1024, 128>}, {transform_indices = @transform_1, window_bounds = array<i64: 8, 128>}, {transform_indices = @transform_2, window_bounds = array<i64: 8, 128>}, {transform_indices = @transform_3, window_bounds = array<i64: 1024, 128>}, {pipeline_mode = #tpu.pipeline_mode<synchronous>, transform_indices = @transform_4, window_bounds = array<i64: 128, 128>}, {pipeline_mode = #tpu.pipeline_mode<synchronous>, transform_indices = @transform_5, window_bounds = array<i64: 1, 128>}, {pipeline_mode = #tpu.pipeline_mode<synchronous>, transform_indices = @transform_6, window_bounds = array<i64: 128, 128>}, {transform_indices = @transform_7, window_bounds = array<i64: 1024, 128>}]} {
    %get3A = arith.constant 0 : index
    %get3A_0 = arith.constant 0 : index
    %get3A_1 = arith.constant 0 : index
    %get3A_2 = vector.load %arg1[%get3A, %get3A_0, %get3A_1] : memref<2x1024x128xf32, #tpu.memory_space<vmem>>, vector<1x1024x128xf32>
    %get3A_3 = vector.shape_cast %get3A_2 : vector<1x1024x128xf32> to vector<1024x128xf32>
    %get3A_4 = arith.constant 1 : index
    %get3A_5 = arith.constant 0 : index
    %get3A_6 = arith.constant 0 : index
    %get3A_7 = vector.load %arg1[%get3A_4, %get3A_5, %get3A_6] : memref<2x1024x128xf32, #tpu.memory_space<vmem>>, vector<1x1024x128xf32>
    %get3A_8 = vector.shape_cast %get3A_7 : vector<1x1024x128xf32> to vector<1024x128xf32>
    %add3A = arith.addf %get3A_3, %get3A_8 : vector<1024x128xf32>
    %get3A_9 = arith.constant 0 : index
    %get3A_10 = arith.constant 0 : index
    %get3A_11 = vector.load %arg2[%get3A_9, %get3A_10] : memref<8x128xf32, #tpu.memory_space<vmem>>, vector<8x128xf32>
    %get3A_12 = arith.constant 0 : index
    %get3A_13 = arith.constant 0 : index
    %get3A_14 = vector.load %arg3[%get3A_12, %get3A_13] : memref<8x128xf32, #tpu.memory_space<vmem>>, vector<8x128xf32>
    %add3A_15 = arith.addf %get3A_11, %get3A_14 : vector<8x128xf32>
    %max3A = arith.constant 1.000000e+00 : f32
    %max3A_16 = vector.broadcast %max3A : f32 to vector<8x128xf32>
    %max3A_17 = arith.maximumf %add3A_15, %max3A_16 : vector<8x128xf32>
    %div3A = arith.constant 1.000000e+00 : f32
    %div3A_18 = vector.broadcast %div3A : f32 to vector<8x128xf32>
    %div3A_19 = arith.divf %div3A_18, %max3A_17 : vector<8x128xf32>
    %reshape3A = vector.shape_cast %add3A : vector<1024x128xf32> to vector<8x128x128xf32>
    %broadcast_in_dim3A = vector.shape_cast %div3A_19 : vector<8x128xf32> to vector<8x128x1xf32>
    %mul3A = vector.broadcast %broadcast_in_dim3A : vector<8x128x1xf32> to vector<8x128x128xf32>
    %mul3A_20 = arith.mulf %reshape3A, %mul3A : vector<8x128x128xf32>
    %reshape3A_21 = vector.shape_cast %mul3A_20 : vector<8x128x128xf32> to vector<1024x128xf32>
    %get3A_22 = arith.constant 0 : index
    %get3A_23 = arith.constant 0 : index
    %get3A_24 = vector.load %arg5[%get3A_22, %get3A_23] : memref<128x128xf32, #tpu.memory_space<vmem>>, vector<128x128xf32>
    %dot_general3A = arith.constant dense<0.000000e+00> : vector<1024x128xf32>
    %dot_general3A_25 = tpu.matmul %reshape3A_21, %get3A_24, %dot_general3A {dimension_numbers = #tpu.dot_dimension_numbers<[1], [1], [0], [0], [0, 0, 1, 0], [], []>, transpose_lhs_hint = false} : vector<1024x128xf32>, vector<128x128xf32>, vector<1024x128xf32> -> vector<1024x128xf32>
    %get3A_26 = arith.constant 0 : index
    %get3A_27 = arith.constant 0 : index
    %get3A_28 = vector.load %arg6[%get3A_26, %get3A_27] : memref<1x128xf32, #tpu.memory_space<vmem>>, vector<1x128xf32>
    %add3A_29 = vector.broadcast %get3A_28 : vector<1x128xf32> to vector<1024x128xf32>
    %add3A_30 = arith.addf %dot_general3A_25, %add3A_29 : vector<1024x128xf32>
    %get3A_31 = arith.constant 0 : index
    %get3A_32 = arith.constant 0 : index
    %get3A_33 = vector.load %arg4[%get3A_31, %get3A_32] : memref<1024x128xf32, #tpu.memory_space<vmem>>, vector<1024x128xf32>
    %get3A_34 = arith.constant 0 : index
    %get3A_35 = arith.constant 0 : index
    %get3A_36 = vector.load %arg7[%get3A_34, %get3A_35] : memref<128x128xf32, #tpu.memory_space<vmem>>, vector<128x128xf32>
    %dot_general3A_37 = arith.constant dense<0.000000e+00> : vector<1024x128xf32>
    %dot_general3A_38 = tpu.matmul %get3A_33, %get3A_36, %dot_general3A_37 {dimension_numbers = #tpu.dot_dimension_numbers<[1], [1], [0], [0], [0, 0, 1, 0], [], []>, transpose_lhs_hint = false} : vector<1024x128xf32>, vector<128x128xf32>, vector<1024x128xf32> -> vector<1024x128xf32>
    %add3A_39 = arith.addf %add3A_30, %dot_general3A_38 : vector<1024x128xf32>
    %swap3A = arith.constant 0 : index
    %swap3A_40 = arith.constant 0 : index
    %swap3A_41 = vector.load %arg8[%swap3A, %swap3A_40] : memref<1024x128xf32, #tpu.memory_space<vmem>>, vector<1024x128xf32>
    tpu.vector_store %arg8[%swap3A, %swap3A_40], %add3A_39 {strides = array<i32>} : memref<1024x128xf32, #tpu.memory_space<vmem>>, vector<1024x128xf32>,
    return
  }
  func.func @transform_0(%arg0: i32) -> (i32, i32, i32) {
    %c0_i32 = arith.constant 0 : i32
    %c0_i32_0 = arith.constant 0 : i32
    %c0_i32_1 = arith.constant 0 : i32
    return %c0_i32, %arg0, %c0_i32_0 : i32, i32, i32
  }
  func.func @transform_1(%arg0: i32) -> (i32, i32) {
    %c0_i32 = arith.constant 0 : i32
    %c0_i32_0 = arith.constant 0 : i32
    return %arg0, %c0_i32 : i32, i32
  }
  func.func @transform_2(%arg0: i32) -> (i32, i32) {
    %c0_i32 = arith.constant 0 : i32
    %c0_i32_0 = arith.constant 0 : i32
    return %arg0, %c0_i32 : i32, i32
  }
  func.func @transform_3(%arg0: i32) -> (i32, i32) {
    %c0_i32 = arith.constant 0 : i32
    %c0_i32_0 = arith.constant 0 : i32
    return %arg0, %c0_i32 : i32, i32
  }
  func.func @transform_4(%arg0: i32) -> (i32, i32) {
    %c0_i32 = arith.constant 0 : i32
    %c0_i32_0 = arith.constant 0 : i32
    %c0_i32_1 = arith.constant 0 : i32
    return %c0_i32, %c0_i32_0 : i32, i32
  }
  func.func @transform_5(%arg0: i32) -> (i32, i32) {
    %c0_i32 = arith.constant 0 : i32
    %c0_i32_0 = arith.constant 0 : i32
    %c0_i32_1 = arith.constant 0 : i32
    return %c0_i32, %c0_i32_0 : i32, i32
  }
  func.func @transform_6(%arg0: i32) -> (i32, i32) {
    %c0_i32 = arith.constant 0 : i32
    %c0_i32_0 = arith.constant 0 : i32
    %c0_i32_1 = arith.constant 0 : i32
    return %c0_i32, %c0_i32_0 : i32, i32
  }
  func.func @transform_7(%arg0: i32) -> (i32, i32) {
    %c0_i32 = arith.constant 0 : i32
    %c0_i32_0 = arith.constant 0 : i32
    return %arg0, %c0_i32 : i32, i32
  }
}

</mosaic_0001>

<sc_bundles>
// kernel: kernel.6.cloned.1.call-start
scs
__scs_entry_jumppad:
0x0: {  	(pc) =	sbr.rel $0x88, $3  }
0x1: {  	(tag) =	ssettag $0x0;
	lr =	simm.s32 $0x1  }
0x2: {  	[smem:$0x3F99] =	sst lr;
	_ =	strace $0xD0000000  }
0x3: {  	_ = 	snop  }
0x4: {  	_ = 	snop  }
0x5: {  	_ = 	snop  }
0x6: {  	_ = 	snop  }
0x7: {  	_ = 	snop  }
__scs_overlays_trampoline_lowered:
0x8: {  	[smem:$0x3FA8] =	sst s0  }
0x9: {  	[smem:$0x3FA9] =	sst s1  }
0xa: {  	[smem:$0x3FAA] =	sst s2  }
0xb: {  	[smem:$0x3FAB] =	sst s3  }
0xc: {  	[smem:$0x3FAC] =	sst s4  }
0xd: {  	[smem:$0x3FAD] =	sst s5  }
0xe: {  	[smem:$0x3FAE] =	sst s6  }
0xf: {  	[smem:$0x3FAF] =	sst s7  }
0x10: {  	[smem:$0x3FB0] =	sst s8  }
0x11: {  	[smem:$0x3FB1] =	sst s9;
	s0 =	simm.s32 @!p0 $0x0  }
0x12: {  	s1 =	sld [smem:$0x3F97];
	s0 =	simm.s32 @p0 $0x1  }
0x13: {  	[smem:$0x3FB2] =	sst s0;
	s0 =	simm.s32 @!p1 $0x0  }
0x14: {  	s2 =	sld [smem:$0x3F96];
	s0 =	simm.s32 @p1 $0x1  }
0x15: {  	[smem:$0x3FB3] =	sst s0;
	s0 =	simm.s32 @!p2 $0x0  }
0x16: {  	s3 =	sld [smem:$0x3FDB];
	s0 =	simm.s32 @p2 $0x1  }
0x17: {  	s4 =	simm.s32 $0x1BF5;
	[smem:$0x3FB5] =	sst s0  }
0x18: {  	s0 =	sld [smem:$0x3F98];
	_ =	swait.ge [sflag:s4], $0x0  }
0x19: {  	s7 =	sld [smem:$0x3F99]  }
0x1a: {  	s8 =	sadd.s32 $0xFFFFE003, lr  }
0x1b: {  	s9 =	sadd.s32 $0xFFFFFEF7, lr;
	s5 =	simm.s32 $0xFFFFFFFF;
	p2 =	slt.u32 s8, $0xFFFFF086  }
0x1c: {  	p1 =	slt.u32 s9, $0xF7A;
	s5 =	simm.s32 @!p2 $0x0  }
0x1d: {  	s5 =	simm.s32 @p1 $0x1;
	p0 =	seq.s32 s7, s2  }
0x1e: {  	s7 =	smul.u32 @!p0 $0xF7A, s2;
	p2 =	seq.s32 @!p0 s5, $0x0  }
0x1f: {  	s9 =	smul.u32 $0xF7A, s1;
	s8 =	simm.s32 @!p0 $0x1BF5;
	p2 =	por !p2, p0  }
0x20: {  	[sflag:s8] =	ssyncset.s32 @!p0 $0xFFFFF086;
	s6 =	sadd.s32 @!p0 s3, s7;
	s7 =	simm.s32 @!p0 $0x108  }
0x21: {  	s3 =	sadd.s32 s3, s9;
	s6 =	sadd.s32 @!p0 $0x88, s6;
	s7 =	simm.s32 @p2 $0x1082  }
0x22: {  	[simem:s7], [sflag:s8] =	dma.local @!p0 [hbm:s6], $0xF7A  }
0x23: {  	s9 =	sor.u32 $0xD0000000, s2;
	s6 =	simm.s32 $0x108;
	_ =	swait.ge @!p0 [sflag:s8], $0x0  }
0x24: {  	s3 =	sadd.s32 $0x88, s3;
	s6 =	simm.s32 @!p1 $0x1082;
	[sflag:s4] =	ssyncset.s32 $0xFFFFF086  }
0x25: {  	[simem:s6], [sflag:s4] =	dma.local [hbm:s3], $0xF7A  }
0x26: {  	[smem:$0x3F99] =	sst s1;
	(tag) =	ssettag s2;
	_ =	strace s9  }
0x27: {  	s1 =	sld [smem:$0x3FA9]  }
0x28: {  	s2 =	sld [smem:$0x3FAA]  }
0x29: {  	s4 =	sld [smem:$0x3FAC]  }
0x2a: {  	p0 =	seq.s32 s5, $0x0;
	s5 =	sld [smem:$0x3FAD]  }
0x2b: {  	s6 =	sld [smem:$0x3FAE]  }
0x2c: {  	s7 =	sld [smem:$0x3FAF]  }
0x2d: {  	s3 =	simm.s32 $0x108;
	s8 =	sld [smem:$0x3FB0]  }
0x2e: {  	s3 =	simm.s32 @!p0 $0x1082;
	s9 =	sld [smem:$0x3FB1]  }
0x2f: {  	lr =	sadd.s32 s0, s3;
	s0 =	sld [smem:$0x3FA8]  }
0x30: {  	s3 =	sld [smem:$0x3FAB]  }
0x31: {  	[smem:$0x3FB4] =	sst s10  }
0x32: {  	s10 =	sld [smem:$0x3FB2];
	_ =	sdelay $0x3  }
0x33: {  	p0 =	seq.s32 s10, $0x1;
	s10 =	sld [smem:$0x3FB4];
	_ =	sdelay $0x3  }
0x34: {  	[smem:$0x3FB4] =	sst s10  }
0x35: {  	s10 =	sld [smem:$0x3FB3];
	_ =	sdelay $0x3  }
0x36: {  	p1 =	seq.s32 s10, $0x1;
	s10 =	sld [smem:$0x3FB4];
	_ =	sdelay $0x3  }
0x37: {  	[smem:$0x3FB4] =	sst s10  }
0x38: {  	s10 =	sld [smem:$0x3FB5]  }
0x39: {  	_ = 	snop;
	(pc) =	sbr.ind lr, $3  }
0x3a: {  	_ = 	snop  }
0x3b: {  	_ = 	snop  }
0x3c: {  	p2 =	seq.s32 s10, $0x1;
	s10 =	sld [smem:$0x3FB4]  }
0x3d: {  	_ =	shalt  }
0x3e: {  	_ =	shalt  }
0x3f: {  	_ =	shalt  }
0x40: {  	_ =	shalt  }
0x41: {  	_ =	shalt  }
0x42: {  	_ =	shalt  }
0x43: {  	_ =	shalt  }
0x44: {  	_ =	shalt  }
0x45: {  	_ =	shalt  }
0x46: {  	_ =	shalt  }
0x47: {  	_ =	shalt  }
0x48: {  	_ =	shalt  }
0x49: {  	_ =	shalt  }
0x4a: {  	_ =	shalt  }
0x4b: {  	_ =	shalt  }
0x4c: {  	_ =	shalt  }
0x4d: {  	_ =	shalt  }
0x4e: {  	_ =	shalt  }
0x4f: {  	_ =	shalt  }
0x50: {  	_ =	shalt  }
0x51: {  	_ =	shalt  }
0x52: {  	_ =	shalt  }
0x53: {  	_ =	shalt  }
0x54: {  	_ =	shalt  }
0x55: {  	_ =	shalt  }
0x56: {  	_ =	shalt  }
0x57: {  	_ =	shalt  }
0x58: {  	_ =	shalt  }
0x59: {  	_ =	shalt  }
0x5a: {  	_ =	shalt  }
0x5b: {  	_ =	shalt  }
0x5c: {  	_ =	shalt  }
0x5d: {  	_ =	shalt  }
0x5e: {  	_ =	shalt  }
0x5f: {  	_ =	shalt  }
0x60: {  	_ =	shalt  }
0x61: {  	_ =	shalt  }
0x62: {  	_ =	shalt  }
0x63: {  	_ =	shalt  }
0x64: {  	_ =	shalt  }
0x65: {  	_ =	shalt  }
0x66: {  	_ =	shalt  }
0x67: {  	_ =	shalt  }
0x68: {  	_ =	shalt  }
0x69: {  	_ =	shalt  }
0x6a: {  	_ =	shalt  }
0x6b: {  	_ =	shalt  }
0x6c: {  	_ =	shalt  }
0x6d: {  	_ =	shalt  }
0x6e: {  	_ =	shalt  }
0x6f: {  	_ =	shalt  }
0x70: {  	_ =	shalt  }
0x71: {  	_ =	shalt  }
0x72: {  	_ =	shalt  }
0x73: {  	_ =	shalt  }
0x74: {  	_ =	shalt  }
0x75: {  	_ =	shalt  }
0x76: {  	_ =	shalt  }
0x77: {  	_ =	shalt  }
0x78: {  	_ =	shalt  }
0x79: {  	_ =	shalt  }
0x7a: {  	_ =	shalt  }
0x7b: {  	_ =	shalt  }
0x7c: {  	_ =	shalt  }
0x7d: {  	_ =	shalt  }
0x7e: {  	_ =	shalt  }
0x7f: {  	_ =	shalt  }
0x80: {  	_ =	shalt  }
0x81: {  	_ =	shalt  }
0x82: {  	_ =	shalt  }
0x83: {  	_ =	shalt  }
0x84: {  	_ =	shalt  }
0x85: {  	_ =	shalt  }
0x86: {  	_ =	shalt  }
0x87: {  	_ =	shalt  }
.Lfunc_end0:
.L_simem_size_0:
called_computation_lowered:
.L_overlay_start_0:
0x88: {  	s2 =	sld [smem:$0x3FD9]  }
0x89: {  	s3 =	sld [smem:$0x3FFE];
	_ =	sdelay $0x1  }
0x8a: {  	s1 =	srdreg.scid  }
0x8b: {  	s0 =	sand.u32 $0x1, s1  }
0x8c: {  	s17 =	sshll.u32 s0, $0xA;
	s2 =	sadd.s32 s3, s2  }
0x8d: {  	s2 =	sadd.s32 s2, s17  }
0x8e: {  	[smem:$0x3FC0] =	sst s2  }
0x8f: {  	_ = 	snop  }
0x90: {  	s2 =	sld [smem:$0x3FD0];
	(tm) =	ssettm $0x1  }
0x91: {  	s18 =	sld [smem:$0x3FFB];
	_ =	sdelay $0x3  }
0x92: {  	_ =	strace s18  }
0x93: {  	s3 =	sld [smem:$0x3FFC];
	_ =	sdelay $0x3  }
0x94: {  	_ =	strace s3  }
0x95: {  	s3 =	sld [smem:$0x3FFD];
	_ =	sdelay $0x3  }
0x96: {  	_ =	strace s3  }
0x97: {  	_ =	strace $0x8FFFFFFF  }
0x98: {  	s19 =	sld [smem:$0x3FDB];
	_ =	sdelay $0x1  }
0x99: {  	s4 =	simm.s32 $_scs_section_size  }
0x9a: {  	s5 =	simm.s32 $_size__tile_overlayer_lowered;
	s6 =	simm.s32 $_tile_overlayer_lowered  }
0x9b: {  	s22 =	simm.s32 $0x1BFF;
	s21 =	sshll.u32 s6, $0x1;
	s3 =	sadd.s32 s4, s19  }
0x9c: {  	s7 =	simm.s32 $0x0;
	s20 =	sshll.u32 s5, $0x1;
	s5 =	sadd.s32 s21, s3  }
0x9d: {  	[timem:s7], [sflag:s22] =	dma.local [hbm:s5], s20  }
0x9e: {  	_ =	swait.ge [sflag:s22], s20  }
0x9f: {  	s4 =	ssub.s32 $0x0, s20;
	[sflag:s22] =	ssyncset.done $0x0  }
0xa0: {  	[sflag:s22] =	ssyncadd.s32 s4;
	_ =	sdelay $0x1  }
0xa1: {  	s23 =	simm.s32 $0x1B8B  }
0xa2: {  	_ =	swait.ge [sflag:s23], $0x1  }
0xa3: {  	[sflag:s23] =	ssyncset.done $0x0  }
0xa4: {  	s25 =	simm.s32 $0x1B8E;
	s24 =	sld [smem:$0x3FFE];
	[sflag:s23] =	ssyncadd.s32 $0xFFFFFFFF  }
0xa5: {  	s26 =	simm.s32 $execute0_lowered;
	[smem:$0x3FD2] =	sst s25  }
0xa6: {  	s5 =	sshll.u32 s26, $0x1;
	_ =	strace $0x80000046;
	[dreg:$0x1] =	wrdreg $0xFFFFFFFF  }
0xa7: {  	s28 =	simm.s32 $_size_execute0_lowered;
	s3 =	sadd.s32 s3, s5;
	[dreg:$0x0] =	wrdreg $0x0  }
0xa8: {  	s5 =	sshll.u32 s28, $0x1;
	[dreg:$0x2] =	wrdreg s3  }
0xa9: {  	[dreg:$0x3] =	wrdreg s5  }
0xaa: {  	[dreg:$0x4] =	wrdreg $0xC0  }
0xab: {  	_ =	task [dreg:s7], $0x5FFFF  }
0xac: {  	[dreg:$0x1] =	wrdreg $0xFFFFFFFF  }
0xad: {  	[dreg:$0x0] =	wrdreg $0x60  }
0xae: {  	[dreg:$0x2] =	wrdreg s24  }
0xaf: {  	[dreg:$0x3] =	wrdreg s2  }
0xb0: {  	[dreg:$0x4] =	wrdreg $0x0  }
0xb1: {  	[dreg:$0x5] =	wrdreg $0x1EA000  }
0xb2: {  	[dreg:$0x6] =	wrdreg $0x9  }
0xb3: {  	_ =	task.clear_ibuf [dreg:s7], $0x7FFFF;
	_ =	strace $0x90000046  }
0xb4: {  	s29 =	simm.s32 $0x9;
	_ =	strace $0x80000048  }
0xb5: {  	_ =	swait.ge [sflag:s29], $0x1  }
0xb6: {  	[sflag:s29] =	ssyncadd.s32 $0xFFFFFFFF  }
0xb7: {  	_ =	strace $0x90000048  }
0xb8: {  	_ =	sfence  }
0xb9: {  	s30 =	sld [smem:$0x0];
	_ =	sdelay $0x2  }
0xba: {  	s31 =	sshll.u32 s1, $0xD;
	s1 =	sshrl.u32 s1, $0x2  }
0xbb: {  	s3 =	sand.u32 $0x4000, s31;
	s1 =	sadd.s32 s1, s30  }
0xbc: {  	s0 =	sor.u32 s3, s0;
	s1 =	sshll.u32 s1, $0x11  }
0xbd: {  	s0 =	sor.u32 s1, s0  }
0xbe: {  	s0 =	sadd.s32 $0x8F2B, s0  }
0xbf: {  	[sflag:s0] =	ssyncadd.remote.s32 $0x1  }
0xc0: {  	_ =	sfence.sel $0xFFFF  }
0xc1: {  	[dreg:$0x0] =	wrdreg $0xFFFFFFFF;
	(pc) =	sbr.abs _section_cstart, $3  }
0xc2: {  	[dreg:$0x1] =	wrdreg $0xFFFFFFFF  }
0xc3: {  	_ =	task.clear_ibuf [dreg:s7], $0x2FFFF;
	_ =	strace $0x9FFFFFFF  }
0xc4: {  	(tm) =	ssettm $0x7FFFFFFF  }
0xc5: {  	_ =	shalt  }
tec
execute0_lowered:
.L_overlay_start_1:
0x0: {  	(tag) =	ssettag $0x1  }
0x1: {  	s0 =	rddreg [dreg:$0x0]  }
0x2: {  	s3 =	rddreg [dreg:$0x1]  }
0x3: {  	s1 =	rddreg [dreg:$0x2]  }
0x4: {  	s2 =	rddreg [dreg:$0x3]  }
0x5: {  	s5 =	stileid.u32;
	s4 =	srdreg.scid  }
0x6: {  	s7 =	simm.s32 $0x0;
	s16 =	simm.s32 $0x80;
	s17 =	simm.s32 $0x16800  }
0x7: {  	s18 =	simm.s32 $0x16A00;
	s28 =	simm.s32 $0x2;
	s29 =	simm.s32 $0x16980  }
0x8: {  	s30 =	simm.s32 $0x4;
	s31 =	simm.s32 $0x6;
	s6 =	smul.u32 $0x14000, s5  }
0x9: {  	s8 =	sand.u32 $0x1, s4;
	[smem:$0x7FF] =	sst s7;
	s11 =	smul.u32 $0x50000, s5  }
0xa: {  	s4 =	sadd.s32 $0x2A00, s0;
	s10 =	sadd.s32 $0x2AA00, s0;
	s22 =	smul.u32 $0x280, s5  }
0xb: {  	s26 =	sshll.u32 s5, $0x6;
	s9 =	smul.u32 $0x140000, s8;
	_ =	strace $0x80000047  }
0xc: {  	[dreg:$0x5] =	wrdreg s10;
	s20 =	sshll.u32 s8, $0x4;
	s21 =	ssub.s32 $0x2, s8  }
0xd: {  	p0 =	seq.s32 s8, $0x1;
	s19 =	sshrl.u32 s6, $0x3;
	s12 =	sshrl.u32 s21, $0x1  }
0xe: {  	s11 =	sshrl.u32 s11, $0x2;
	s24 =	sshrl.u32 s22, $0x3;
	s25 =	sadd.s32 s22, s2  }
0xf: {  	s22 =	simm.s32 $0x16900;
	s7 =	sadd.s32 s19, s0;
	s6 =	sadd.s32 s6, s9  }
0x10: {  	s9 =	sor.u32 s5, s20;
	s10 =	ssub.s32 s21, s12;
	s23 =	sadd.s32 s11, s1  }
0x11: {  	s11 =	simm.s32 $0xA3600;
	s12 =	simm.s32 $0x7;
	s19 =	simm.s32 $0x16880  }
0x12: {  	s20 =	simm.s32 $0x1AA00;
	s21 =	simm.s32 $0x1;
	s25 =	sshrl.u32 s25, $0x3  }
0x13: {  	s6 =	sshrl.u32 s6, $0x3;
	s9 =	smul.u32 $0x500, s9;
	s7 =	sadd.s32 $0x2B000, s7  }
0x14: {  	s11 =	simm.s32 @!p0 $0xA3000;
	p0 =	sne.s32 s5, $0x0;
	s14 =	sshrl.u32 s23, $0x3  }
0x15: {  	s23 =	simm.s32 $0x1EC80;
	s13 =	sadd.s32 s6, s0;
	s0 =	sadd.s32 s11, s0  }
0x16: {  	s15 =	sshrl.u32 @!p0 s2, $0x3;
	s6 =	sadd.s32 s3, s9;
	s8 =	sadd.s32 $0x53000, s13  }
0x17: {  	s9 =	smax.u32 s10, $0x1;
	s10 =	sadd.s32 s0, s24;
	s13 =	sor.u32 $0x1C07, s26  }
0x18: {  	v0 =	vimm.f32 $1.000000000e+00;
	s24 =	simm.s32 $0x3;
	s26 =	simm.s32 $0x5;
	s0 =	simm.s32 $0x0  }
.LBB2_1:
0x19: {  	s3 =	simm.s32 $0x0;
	s5 =	simm.s32 $0x14000  }
0x1a: {  	[tilespmem:s5], [sflag:$0x7] =	stream.linear.gather [hbm4b:s6+s3], $0x2800, $0x38;
	[tilespmem:$0x1ED00] =	vst v63  }
0x1b: {  	_ =	swait.ge [sflag:s12], $0x2800  }
0x1c: {  	[sflag:s12] =	ssyncset.done $0x0  }
0x1d: {  	[sflag:s12] =	ssyncadd.s32 $0xFFFFD800  }
0x1e: {  	[spmem:s14], [sflag:s13] =	dma.local [hbm:s7], $0x2800  }
0x1f: {  	_ =	swait.ge [sflag:s12], $0x2800  }
0x20: {  	[sflag:s12] =	ssyncset.done $0x0  }
0x21: {  	s3 =	rddreg [dreg:$0x5];
	[sflag:s12] =	ssyncadd.s32 $0xFFFFD800  }
0x22: {  	[spmem:s15], [sflag:s13] =	dma.local @!p0 [hbm:s3], $0x500  }
0x23: {  	s3 =	simm.s32 @!p0 $0x7  }
0x24: {  	_ =	swait.ge @!p0 [sflag:s3], $0x500  }
0x25: {  	[sflag:s3] =	ssyncset.done @!p0 $0x0  }
0x26: {  	[sflag:s3] =	ssyncadd.s32 @!p0 $0xFFFFFB00  }
0x27: {  	[tilespmem:$0x1EC80] =	vst v0  }
0x28: {  	[tilespmem:$0x1EC90] =	vst v0  }
0x29: {  	[tilespmem:$0x1ECA0] =	vst v0  }
0x2a: {  	[tilespmem:$0x1ECB0] =	vst v0  }
0x2b: {  	[tilespmem:$0x1ECC0] =	vst v0  }
0x2c: {  	[tilespmem:$0x1ECD0] =	vst v0  }
0x2d: {  	[tilespmem:$0x1ECE0] =	vst v0  }
0x2e: {  	[tilespmem:$0x1ECF0] =	vst v0  }
0x2f: {  	[bflag:$0x0] =	sbarrier.arrive $0xFFFF  }
0x30: {  	v1 =	vld [tilespmem:$0x14000]  }
0x31: {  	v2 =	vld [tilespmem:$0x14010]  }
0x32: {  	v3 =	vld [tilespmem:$0x14020]  }
0x33: {  	v4 =	vld [tilespmem:$0x14030]  }
0x34: {  	v5 =	vld [tilespmem:$0x14040]  }
0x35: {  	v6 =	vld [tilespmem:$0x14050];
	v1 =	vand.u32 $0xFFFF, v1  }
0x36: {  	v7 =	vld [tilespmem:$0x14060];
	v2 =	vand.u32 $0xFFFF, v2;
	[tilespmem:$0x16800] =	vst v1  }
0x37: {  	v3 =	vand.u32 $0xFFFF, v3;
	v1 =	vld [tilespmem:$0x14070];
	[tilespmem:$0x16810] =	vst v2  }
0x38: {  	v2 =	vand.u32 $0xFFFF, v4;
	[tilespmem:$0x16820] =	vst v3  }
0x39: {  	v3 =	vand.u32 $0xFFFF, v5;
	[tilespmem:$0x16830] =	vst v2  }
0x3a: {  	v2 =	vand.u32 $0xFFFF, v6;
	[tilespmem:$0x16840] =	vst v3  }
0x3b: {  	v3 =	vand.u32 $0xFFFF, v7;
	[tilespmem:$0x16850] =	vst v2  }
0x3c: {  	[tilespmem:$0x16860] =	vst v3;
	v1 =	vand.u32 $0xFFFF, v1  }
0x3d: {  	[tilespmem:$0x16870] =	vst v1  }
0x3e: {  	[tilespmem:s18], [sflag:$0x1] =	stream.indirect.gather [hbm4b:s4+s16], $0x80, s17, s16, $0xb8;
	[tilespmem:$0x1ED00] =	vst v63  }
0x3f: {  	v1 =	vld [tilespmem:$0x14080]  }
0x40: {  	v2 =	vld [tilespmem:$0x14090]  }
0x41: {  	v3 =	vld [tilespmem:$0x140A0]  }
0x42: {  	v47 =	vld [tilespmem:$0x140B0]  }
0x43: {  	v48 =	vld [tilespmem:$0x140C0]  }
0x44: {  	v49 =	vld [tilespmem:$0x140D0];
	v1 =	vand.u32 $0xFFFF, v1  }
0x45: {  	v50 =	vld [tilespmem:$0x140E0];
	v2 =	vand.u32 $0xFFFF, v2;
	[tilespmem:$0x16880] =	vst v1  }
0x46: {  	v3 =	vand.u32 $0xFFFF, v3;
	v1 =	vld [tilespmem:$0x140F0];
	[tilespmem:$0x16890] =	vst v2  }
0x47: {  	v2 =	vand.u32 $0xFFFF, v47;
	[tilespmem:$0x168A0] =	vst v3  }
0x48: {  	v3 =	vand.u32 $0xFFFF, v48;
	[tilespmem:$0x168B0] =	vst v2  }
0x49: {  	v2 =	vand.u32 $0xFFFF, v49;
	[tilespmem:$0x168C0] =	vst v3  }
0x4a: {  	v3 =	vand.u32 $0xFFFF, v50;
	[tilespmem:$0x168D0] =	vst v2  }
0x4b: {  	[tilespmem:$0x168E0] =	vst v3;
	v1 =	vand.u32 $0xFFFF, v1  }
0x4c: {  	[tilespmem:$0x168F0] =	vst v1  }
0x4d: {  	[tilespmem:s20], [sflag:$0x2] =	stream.indirect.gather [hbm4b:s4+s16], $0x80, s19, s16, $0xb8;
	[tilespmem:$0x1ED00] =	vst v63  }
0x4e: {  	_ =	swait.ge [sflag:s21], $0x4000  }
0x4f: {  	[sflag:s21] =	ssyncset.done $0x0  }
0x50: {  	[sflag:s21] =	ssyncadd.s32 $0xFFFFC000  }
0x51: {  	v1 =	vld [tilespmem:$0x14000]  }
0x52: {  	v2 =	vld [tilespmem:$0x14010]  }
0x53: {  	v3 =	vld [tilespmem:$0x14020]  }
0x54: {  	v51 =	vld [tilespmem:$0x14030]  }
0x55: {  	v52 =	vld [tilespmem:$0x14040]  }
0x56: {  	v53 =	vld [tilespmem:$0x14050];
	v1 =	vshra.s32 v1, $0x10  }
0x57: {  	v54 =	vld [tilespmem:$0x14060];
	v2 =	vshra.s32 v2, $0x10;
	[tilespmem:$0x16900] =	vst v1  }
0x58: {  	v3 =	vshra.s32 v3, $0x10;
	v1 =	vld [tilespmem:$0x14070];
	[tilespmem:$0x16910] =	vst v2  }
0x59: {  	v2 =	vshra.s32 v51, $0x10;
	[tilespmem:$0x16920] =	vst v3  }
0x5a: {  	v3 =	vshra.s32 v52, $0x10;
	[tilespmem:$0x16930] =	vst v2  }
0x5b: {  	v2 =	vshra.s32 v53, $0x10;
	[tilespmem:$0x16940] =	vst v3  }
0x5c: {  	v3 =	vshra.s32 v54, $0x10;
	[tilespmem:$0x16950] =	vst v2  }
0x5d: {  	[tilespmem:$0x16960] =	vst v3;
	v1 =	vshra.s32 v1, $0x10  }
0x5e: {  	[tilespmem:$0x16970] =	vst v1  }
0x5f: {  	[spmem:s1] =	stream.indirect.scatter.add.f32 [tilespmem:s18], [sflag:$0x3], $0x80, s22, s16, $0xb8;
	[tilespmem:$0x1ED00] =	vst v63  }
0x60: {  	_ = 	snop  }
0x61: {  	[spmem:s2] =	stream.indirect.scatter.add.f32 [tilespmem:s23], [sflag:$0x5], $0x1, s22, s16, $0xb8;
	[tilespmem:$0x1ED00] =	vst v63  }
0x62: {  	_ =	swait.ge [sflag:s24], $0x4000  }
0x63: {  	[sflag:s24] =	ssyncset.done $0x0  }
0x64: {  	[sflag:s24] =	ssyncadd.s32 $0xFFFFC000  }
0x65: {  	_ =	swait.ge [sflag:s26], $0x80  }
0x66: {  	[sflag:s26] =	ssyncset.done $0x0  }
0x67: {  	s3 =	simm.s32 $0x1F0;
	[sflag:s26] =	ssyncadd.s32 $0xFFFFFF80  }
0x68: {  	v1 =	vld [tilespmem:s3+$0x13F80]  }
0x69: {  	v2 =	vld [tilespmem:s3+$0x13F40]  }
0x6a: {  	v3 =	vld [tilespmem:s3+$0x13F70]  }
0x6b: {  	v55 =	vld [tilespmem:s3+$0x13F60]  }
0x6c: {  	v56 =	vld [tilespmem:s3+$0x13F30]  }
0x6d: {  	v57 =	vld [tilespmem:s3+$0x13F20]  }
0x6e: {  	v58 =	vld [tilespmem:s3+$0x13F50];
	v1 =	vand.u32 $0xFFFF, v1  }
0x6f: {  	v8 =	vld [tilespmem:s3+$0x13F10];
	v2 =	vand.u32 $0xFFFF, v2;
	[tilespmem:$0x16870] =	vst v1  }
0x70: {  	v1 =	vand.u32 $0xFFFF, v55;
	[tilespmem:$0x16830] =	vst v2  }
0x71: {  	v2 =	vand.u32 $0xFFFF, v56;
	[tilespmem:$0x16850] =	vst v1  }
0x72: {  	v1 =	vand.u32 $0xFFFF, v57;
	[tilespmem:$0x16820] =	vst v2  }
0x73: {  	v2 =	vand.u32 $0xFFFF, v58;
	[tilespmem:$0x16810] =	vst v1  }
0x74: {  	v1 =	vand.u32 $0xFFFF, v8;
	[tilespmem:$0x16840] =	vst v2  }
0x75: {  	v2 =	vand.u32 $0xFFFF, v3;
	[tilespmem:$0x16800] =	vst v1  }
0x76: {  	[tilespmem:$0x16860] =	vst v2  }
0x77: {  	[tilespmem:s18], [sflag:$0x1] =	stream.indirect.gather [hbm4b:s4+s16], $0x80, s17, s16, $0xb8;
	[tilespmem:$0x1ED00] =	vst v63  }
0x78: {  	_ =	swait.ge [sflag:s28], $0x4000  }
0x79: {  	[sflag:s28] =	ssyncset.done $0x0  }
0x7a: {  	[sflag:s28] =	ssyncadd.s32 $0xFFFFC000  }
0x7b: {  	v1 =	vld [tilespmem:s3+$0x13EE0]  }
0x7c: {  	v2 =	vld [tilespmem:s3+$0x13ED0]  }
0x7d: {  	v3 =	vld [tilespmem:s3+$0x13EC0]  }
0x7e: {  	v60 =	vld [tilespmem:s3+$0x13F00]  }
0x7f: {  	v59 =	vld [tilespmem:s3+$0x13EA0]  }
0x80: {  	v62 =	vld [tilespmem:s3+$0x13EB0]  }
0x81: {  	v61 =	vld [tilespmem:s3+$0x13EF0];
	v1 =	vshra.s32 v1, $0x10  }
0x82: {  	v63 =	vld [tilespmem:s3+$0x13E90];
	v2 =	vshra.s32 v2, $0x10;
	[tilespmem:$0x169D0] =	vst v1  }
0x83: {  	v1 =	vshra.s32 v60, $0x10;
	[tilespmem:$0x169C0] =	vst v2  }
0x84: {  	v2 =	vshra.s32 v3, $0x10;
	[tilespmem:$0x169F0] =	vst v1  }
0x85: {  	v1 =	vshra.s32 v62, $0x10;
	[tilespmem:$0x169B0] =	vst v2  }
0x86: {  	v2 =	vshra.s32 v59, $0x10;
	[tilespmem:$0x169A0] =	vst v1  }
0x87: {  	v1 =	vshra.s32 v63, $0x10;
	[tilespmem:$0x16990] =	vst v2  }
0x88: {  	v2 =	vshra.s32 v61, $0x10;
	[tilespmem:$0x16980] =	vst v1  }
0x89: {  	[tilespmem:$0x169E0] =	vst v2  }
0x8a: {  	[spmem:s1] =	stream.indirect.scatter.add.f32 [tilespmem:s20], [sflag:$0x4], $0x80, s29, s16, $0xb8;
	[tilespmem:$0x1ED00] =	vst v63  }
0x8b: {  	_ = 	snop  }
0x8c: {  	[spmem:s2] =	stream.indirect.scatter.add.f32 [tilespmem:s23], [sflag:$0x6], $0x1, s29, s16, $0xb8;
	[tilespmem:$0x1ED00] =	vst v63  }
0x8d: {  	_ =	swait.ge [sflag:s30], $0x4000  }
0x8e: {  	[sflag:s30] =	ssyncset.done $0x0  }
0x8f: {  	[sflag:s30] =	ssyncadd.s32 $0xFFFFC000  }
0x90: {  	_ =	swait.ge [sflag:s31], $0x80  }
0x91: {  	[sflag:s31] =	ssyncset.done $0x0  }
0x92: {  	[sflag:s31] =	ssyncadd.s32 $0xFFFFFF80  }
0x93: {  	v1 =	vld [tilespmem:s3+$0x13FD0]  }
0x94: {  	s11 =	simm.s32 $0xBC0;
	v2 =	vld [tilespmem:s3+$0x13FC0]  }
.LBB2_2:
0x95: {  	p1 =	sne.s32 s11, $0x9FC0;
	v3 =	vld [tilespmem:s3+$0x13FA0];
	s5 =	smov.u32 s11;
	s11 =	sadd.s32 $0x400, s11  }
0x96: {  	v4 =	vld [tilespmem:s3+$0x13FB0]  }
0x97: {  	v5 =	vld [tilespmem:s3+$0x13F90]  }
0x98: {  	v6 =	vld [tilespmem:s3+$0x13FE0]  }
0x99: {  	v7 =	vld [tilespmem:s3+$0x13FF0];
	_ =	sdelay $0x1  }
0x9a: {  	v2 =	vand.u32 $0xFFFF, v2;
	v8 =	vld [tilespmem:s3+$0x14000];
	v4 =	vand.u32 $0xFFFF, v4  }
0x9b: {  	v1 =	vand.u32 $0xFFFF, v1;
	v5 =	vand.u32 $0xFFFF, v5;
	[tilespmem:$0x168B0] =	vst v2  }
0x9c: {  	v2 =	vand.u32 $0xFFFF, v6;
	[tilespmem:$0x168A0] =	vst v4  }
0x9d: {  	v4 =	vand.u32 $0xFFFF, v7;
	[tilespmem:$0x168C0] =	vst v1  }
0x9e: {  	[tilespmem:$0x168D0] =	vst v2  }
0x9f: {  	v1 =	vand.u32 $0xFFFF, v3;
	v2 =	vand.u32 $0xFFFF, v8;
	[tilespmem:$0x168E0] =	vst v4  }
0xa0: {  	[tilespmem:$0x16880] =	vst v5  }
0xa1: {  	[tilespmem:$0x16890] =	vst v1  }
0xa2: {  	[tilespmem:$0x168F0] =	vst v2  }
0xa3: {  	[tilespmem:s20], [sflag:$0x2] =	stream.indirect.gather [hbm4b:s4+s16], $0x80, s19, s16, $0xb8;
	[tilespmem:$0x1ED00] =	vst v63  }
0xa4: {  	_ =	swait.ge [sflag:s21], $0x4000  }
0xa5: {  	[sflag:s21] =	ssyncset.done $0x0  }
0xa6: {  	[sflag:s21] =	ssyncadd.s32 $0xFFFFC000  }
0xa7: {  	v1 =	vld [tilespmem:s3+$0x13F80]  }
0xa8: {  	v2 =	vld [tilespmem:s3+$0x13F70]  }
0xa9: {  	v3 =	vld [tilespmem:s3+$0x13F50]  }
0xaa: {  	v4 =	vld [tilespmem:s3+$0x13F60]  }
0xab: {  	v5 =	vld [tilespmem:s3+$0x13F20]  }
0xac: {  	v6 =	vld [tilespmem:s3+$0x13F30]  }
0xad: {  	v7 =	vld [tilespmem:s3+$0x13F10];
	v2 =	vshra.s32 v2, $0x10  }
0xae: {  	v1 =	vshra.s32 v1, $0x10;
	v8 =	vld [tilespmem:s3+$0x13F40];
	v3 =	vshra.s32 v3, $0x10  }
0xaf: {  	v4 =	vshra.s32 v4, $0x10;
	[tilespmem:$0x16970] =	vst v1  }
0xb0: {  	v1 =	vshra.s32 v5, $0x10;
	[tilespmem:$0x16960] =	vst v2  }
0xb1: {  	v2 =	vshra.s32 v6, $0x10;
	[tilespmem:$0x16910] =	vst v1  }
0xb2: {  	v1 =	vshra.s32 v7, $0x10;
	[tilespmem:$0x16950] =	vst v4  }
0xb3: {  	v4 =	vshra.s32 v8, $0x10;
	[tilespmem:$0x16900] =	vst v1  }
0xb4: {  	[tilespmem:$0x16930] =	vst v4  }
0xb5: {  	[tilespmem:$0x16940] =	vst v3  }
0xb6: {  	[tilespmem:$0x16920] =	vst v2  }
0xb7: {  	[spmem:s1] =	stream.indirect.scatter.add.f32 [tilespmem:s18], [sflag:$0x3], $0x80, s22, s16, $0xb8;
	[tilespmem:$0x1ED00] =	vst v63  }
0xb8: {  	_ = 	snop  }
0xb9: {  	[spmem:s2] =	stream.indirect.scatter.add.f32 [tilespmem:s23], [sflag:$0x5], $0x1, s22, s16, $0xb8;
	[tilespmem:$0x1ED00] =	vst v63  }
0xba: {  	_ =	swait.ge [sflag:s24], $0x4000  }
0xbb: {  	[sflag:s24] =	ssyncset.done $0x0  }
0xbc: {  	[sflag:s24] =	ssyncadd.s32 $0xFFFFC000  }
0xbd: {  	_ =	swait.ge [sflag:s26], $0x80  }
0xbe: {  	[sflag:s26] =	ssyncset.done $0x0  }
0xbf: {  	s3 =	sshra.s32 s5, $0x2;
	[sflag:s26] =	ssyncadd.s32 $0xFFFFFF80  }
0xc0: {  	v1 =	vld [tilespmem:s3+$0x13F80]  }
0xc1: {  	v2 =	vld [tilespmem:s3+$0x13F40]  }
0xc2: {  	v3 =	vld [tilespmem:s3+$0x13F70]  }
0xc3: {  	v4 =	vld [tilespmem:s3+$0x13F60]  }
0xc4: {  	v5 =	vld [tilespmem:s3+$0x13F30]  }
0xc5: {  	v6 =	vld [tilespmem:s3+$0x13F20];
	v1 =	vand.u32 $0xFFFF, v1  }
0xc6: {  	v7 =	vld [tilespmem:s3+$0x13F50];
	v2 =	vand.u32 $0xFFFF, v2  }
0xc7: {  	v8 =	vld [tilespmem:s3+$0x13F10];
	v3 =	vand.u32 $0xFFFF, v3  }
0xc8: {  	v4 =	vand.u32 $0xFFFF, v4;
	[tilespmem:$0x16870] =	vst v1  }
0xc9: {  	v1 =	vand.u32 $0xFFFF, v5;
	[tilespmem:$0x16830] =	vst v2  }
0xca: {  	v2 =	vand.u32 $0xFFFF, v6;
	[tilespmem:$0x16850] =	vst v4  }
0xcb: {  	v4 =	vand.u32 $0xFFFF, v7;
	[tilespmem:$0x16820] =	vst v1  }
0xcc: {  	v1 =	vand.u32 $0xFFFF, v8;
	[tilespmem:$0x16810] =	vst v2  }
0xcd: {  	[tilespmem:$0x16840] =	vst v4  }
0xce: {  	[tilespmem:$0x16800] =	vst v1  }
0xcf: {  	[tilespmem:$0x16860] =	vst v3  }
0xd0: {  	[tilespmem:s18], [sflag:$0x1] =	stream.indirect.gather [hbm4b:s4+s16], $0x80, s17, s16, $0xb8;
	[tilespmem:$0x1ED00] =	vst v63  }
0xd1: {  	_ =	swait.ge [sflag:s28], $0x4000  }
0xd2: {  	[sflag:s28] =	ssyncset.done $0x0  }
0xd3: {  	[sflag:s28] =	ssyncadd.s32 $0xFFFFC000  }
0xd4: {  	v1 =	vld [tilespmem:s3+$0x13EE0]  }
0xd5: {  	v2 =	vld [tilespmem:s3+$0x13ED0]  }
0xd6: {  	v3 =	vld [tilespmem:s3+$0x13EC0]  }
0xd7: {  	v4 =	vld [tilespmem:s3+$0x13EA0]  }
0xd8: {  	v5 =	vld [tilespmem:s3+$0x13F00]  }
0xd9: {  	v6 =	vld [tilespmem:s3+$0x13EF0];
	v1 =	vshra.s32 v1, $0x10  }
0xda: {  	v7 =	vld [tilespmem:s3+$0x13EB0];
	v2 =	vshra.s32 v2, $0x10  }
0xdb: {  	v8 =	vld [tilespmem:s3+$0x13E90]  }
0xdc: {  	v3 =	vshra.s32 v3, $0x10;
	[tilespmem:$0x169D0] =	vst v1  }
0xdd: {  	v1 =	vshra.s32 v5, $0x10;
	[tilespmem:$0x169C0] =	vst v2  }
0xde: {  	v2 =	vshra.s32 v6, $0x10;
	[tilespmem:$0x169F0] =	vst v1  }
0xdf: {  	v1 =	vshra.s32 v4, $0x10;
	v4 =	vshra.s32 v7, $0x10;
	[tilespmem:$0x169B0] =	vst v3  }
0xe0: {  	v3 =	vshra.s32 v8, $0x10;
	[tilespmem:$0x169A0] =	vst v4  }
0xe1: {  	[tilespmem:$0x16990] =	vst v1  }
0xe2: {  	[tilespmem:$0x16980] =	vst v3  }
0xe3: {  	[tilespmem:$0x169E0] =	vst v2  }
0xe4: {  	[spmem:s1] =	stream.indirect.scatter.add.f32 [tilespmem:s20], [sflag:$0x4], $0x80, s29, s16, $0xb8;
	[tilespmem:$0x1ED00] =	vst v63  }
0xe5: {  	_ = 	snop  }
0xe6: {  	[spmem:s2] =	stream.indirect.scatter.add.f32 [tilespmem:s23], [sflag:$0x6], $0x1, s29, s16, $0xb8;
	[tilespmem:$0x1ED00] =	vst v63  }
0xe7: {  	_ =	swait.ge [sflag:s30], $0x4000  }
0xe8: {  	[sflag:s30] =	ssyncset.done $0x0  }
0xe9: {  	[sflag:s30] =	ssyncadd.s32 $0xFFFFC000  }
.Ltmp0:
0xea: {  	_ =	swait.ge [sflag:s31], $0x80;
	(pc) =	sbr.rel @p1 .LBB2_2-.Ltmp0, $4  }
0xeb: {  	[sflag:s31] =	ssyncset.done $0x0  }
0xec: {  	[sflag:s31] =	ssyncadd.s32 $0xFFFFFF80  }
0xed: {  	v1 =	vld [tilespmem:s3+$0x13FD0]  }
0xee: {  	v2 =	vld [tilespmem:s3+$0x13FC0]  }
0xef: {  	v3 =	vld [tilespmem:s3+$0x13FA0]  }
0xf0: {  	v4 =	vld [tilespmem:s3+$0x13FB0]  }
0xf1: {  	v6 =	vld [tilespmem:s3+$0x13FE0]  }
0xf2: {  	v7 =	vld [tilespmem:s3+$0x13FF0]  }
0xf3: {  	v5 =	vld [tilespmem:s3+$0x13F90];
	v1 =	vand.u32 $0xFFFF, v1  }
0xf4: {  	v8 =	vld [tilespmem:s3+$0x14000];
	v2 =	vand.u32 $0xFFFF, v2;
	[tilespmem:$0x168C0] =	vst v1  }
0xf5: {  	v4 =	vand.u32 $0xFFFF, v4;
	[tilespmem:$0x168B0] =	vst v2  }
0xf6: {  	v2 =	vand.u32 $0xFFFF, v6;
	[tilespmem:$0x168A0] =	vst v4  }
0xf7: {  	v1 =	vand.u32 $0xFFFF, v7;
	[tilespmem:$0x168D0] =	vst v2  }
0xf8: {  	v2 =	vand.u32 $0xFFFF, v5;
	[tilespmem:$0x168E0] =	vst v1  }
0xf9: {  	v1 =	vand.u32 $0xFFFF, v3;
	[tilespmem:$0x16880] =	vst v2  }
0xfa: {  	v2 =	vand.u32 $0xFFFF, v8;
	[tilespmem:$0x16890] =	vst v1  }
0xfb: {  	[tilespmem:$0x168F0] =	vst v2  }
0xfc: {  	[tilespmem:s20], [sflag:$0x2] =	stream.indirect.gather [hbm4b:s4+s16], $0x80, s19, s16, $0xb8;
	[tilespmem:$0x1ED00] =	vst v63  }
0xfd: {  	_ =	swait.ge [sflag:s21], $0x4000  }
0xfe: {  	[sflag:s21] =	ssyncset.done $0x0  }
0xff: {  	[sflag:s21] =	ssyncadd.s32 $0xFFFFC000  }
0x100: {  	v1 =	vld [tilespmem:s3+$0x13F80]  }
0x101: {  	v2 =	vld [tilespmem:s3+$0x13F70]  }
0x102: {  	v3 =	vld [tilespmem:s3+$0x13F50]  }
0x103: {  	v52 =	vld [tilespmem:s3+$0x13F20]  }
0x104: {  	v51 =	vld [tilespmem:s3+$0x13F60]  }
0x105: {  	v54 =	vld [tilespmem:s3+$0x13F10]  }
0x106: {  	v55 =	vld [tilespmem:s3+$0x13F40];
	v1 =	vshra.s32 v1, $0x10  }
0x107: {  	v53 =	vld [tilespmem:s3+$0x13F30];
	v2 =	vshra.s32 v2, $0x10;
	[tilespmem:$0x16970] =	vst v1  }
0x108: {  	v1 =	vshra.s32 v52, $0x10;
	[tilespmem:$0x16960] =	vst v2  }
0x109: {  	v2 =	vshra.s32 v51, $0x10;
	[tilespmem:$0x16910] =	vst v1  }
0x10a: {  	v1 =	vshra.s32 v54, $0x10;
	[tilespmem:$0x16950] =	vst v2  }
0x10b: {  	v2 =	vshra.s32 v55, $0x10;
	[tilespmem:$0x16900] =	vst v1  }
0x10c: {  	v1 =	vshra.s32 v3, $0x10;
	[tilespmem:$0x16930] =	vst v2  }
0x10d: {  	v2 =	vshra.s32 v53, $0x10;
	[tilespmem:$0x16940] =	vst v1  }
0x10e: {  	[tilespmem:$0x16920] =	vst v2  }
0x10f: {  	[spmem:s1] =	stream.indirect.scatter.add.f32 [tilespmem:s18], [sflag:$0x3], $0x80, s22, s16, $0xb8;
	[tilespmem:$0x1ED00] =	vst v63  }
0x110: {  	_ = 	snop  }
0x111: {  	[spmem:s2] =	stream.indirect.scatter.add.f32 [tilespmem:s23], [sflag:$0x5], $0x1, s22, s16, $0xb8;
	[tilespmem:$0x1ED00] =	vst v63  }
0x112: {  	_ =	swait.ge [sflag:s24], $0x4000  }
0x113: {  	[sflag:s24] =	ssyncset.done $0x0  }
0x114: {  	[sflag:s24] =	ssyncadd.s32 $0xFFFFC000  }
0x115: {  	_ =	swait.ge [sflag:s26], $0x80  }
0x116: {  	[sflag:s26] =	ssyncset.done $0x0  }
0x117: {  	[sflag:s26] =	ssyncadd.s32 $0xFFFFFF80  }
0x118: {  	v1 =	vld [tilespmem:$0x16780]  }
0x119: {  	v2 =	vld [tilespmem:$0x16790]  }
0x11a: {  	v3 =	vld [tilespmem:$0x167A0]  }
0x11b: {  	v56 =	vld [tilespmem:$0x167B0]  }
0x11c: {  	v57 =	vld [tilespmem:$0x167C0]  }
0x11d: {  	v58 =	vld [tilespmem:$0x167D0];
	v1 =	vand.u32 $0xFFFF, v1  }
0x11e: {  	v59 =	vld [tilespmem:$0x167E0];
	v2 =	vand.u32 $0xFFFF, v2;
	[tilespmem:$0x16800] =	vst v1  }
0x11f: {  	v3 =	vand.u32 $0xFFFF, v3;
	v1 =	vld [tilespmem:$0x167F0];
	[tilespmem:$0x16810] =	vst v2  }
0x120: {  	v2 =	vand.u32 $0xFFFF, v56;
	[tilespmem:$0x16820] =	vst v3  }
0x121: {  	v3 =	vand.u32 $0xFFFF, v57;
	[tilespmem:$0x16830] =	vst v2  }
0x122: {  	v2 =	vand.u32 $0xFFFF, v58;
	[tilespmem:$0x16840] =	vst v3  }
0x123: {  	v3 =	vand.u32 $0xFFFF, v59;
	[tilespmem:$0x16850] =	vst v2  }
0x124: {  	[tilespmem:$0x16860] =	vst v3;
	v1 =	vand.u32 $0xFFFF, v1  }
0x125: {  	[tilespmem:$0x16870] =	vst v1  }
0x126: {  	[tilespmem:s18], [sflag:$0x1] =	stream.indirect.gather [hbm4b:s4+s16], $0x80, s17, s16, $0xb8;
	[tilespmem:$0x1ED00] =	vst v63  }
0x127: {  	_ =	swait.ge [sflag:s28], $0x4000  }
0x128: {  	[sflag:s28] =	ssyncset.done $0x0  }
0x129: {  	[sflag:s28] =	ssyncadd.s32 $0xFFFFC000  }
0x12a: {  	v1 =	vld [tilespmem:$0x16780]  }
0x12b: {  	v2 =	vld [tilespmem:$0x16790]  }
0x12c: {  	v3 =	vld [tilespmem:$0x167A0]  }
0x12d: {  	v60 =	vld [tilespmem:$0x167B0]  }
0x12e: {  	v61 =	vld [tilespmem:$0x167C0]  }
0x12f: {  	v62 =	vld [tilespmem:$0x167D0];
	v1 =	vshra.s32 v1, $0x10  }
0x130: {  	v63 =	vld [tilespmem:$0x167E0];
	v2 =	vshra.s32 v2, $0x10;
	[tilespmem:$0x16980] =	vst v1  }
0x131: {  	v3 =	vshra.s32 v3, $0x10;
	v1 =	vld [tilespmem:$0x167F0];
	[tilespmem:$0x16990] =	vst v2  }
0x132: {  	v2 =	vshra.s32 v60, $0x10;
	[tilespmem:$0x169A0] =	vst v3  }
0x133: {  	v3 =	vshra.s32 v61, $0x10;
	[tilespmem:$0x169B0] =	vst v2  }
0x134: {  	v2 =	vshra.s32 v62, $0x10;
	[tilespmem:$0x169C0] =	vst v3  }
0x135: {  	v3 =	vshra.s32 v63, $0x10;
	[tilespmem:$0x169D0] =	vst v2  }
0x136: {  	[tilespmem:$0x169E0] =	vst v3;
	v1 =	vshra.s32 v1, $0x10  }
0x137: {  	[tilespmem:$0x169F0] =	vst v1  }
0x138: {  	[spmem:s1] =	stream.indirect.scatter.add.f32 [tilespmem:s20], [sflag:$0x4], $0x80, s29, s16, $0xb8;
	[tilespmem:$0x1ED00] =	vst v63  }
0x139: {  	_ = 	snop  }
0x13a: {  	[spmem:s2] =	stream.indirect.scatter.add.f32 [tilespmem:s23], [sflag:$0x6], $0x1, s29, s16, $0xb8;
	[tilespmem:$0x1ED00] =	vst v63  }
0x13b: {  	_ =	swait.ge [sflag:s21], $0x4000  }
0x13c: {  	[sflag:s21] =	ssyncset.done $0x0  }
0x13d: {  	[sflag:s21] =	ssyncadd.s32 $0xFFFFC000  }
0x13e: {  	_ =	swait.ge [sflag:s30], $0x4000  }
0x13f: {  	[sflag:s30] =	ssyncset.done $0x0  }
0x140: {  	[sflag:s30] =	ssyncadd.s32 $0xFFFFC000  }
0x141: {  	_ =	swait.ge [sflag:s31], $0x80  }
0x142: {  	[sflag:s31] =	ssyncset.done $0x0  }
0x143: {  	[sflag:s31] =	ssyncadd.s32 $0xFFFFFF80  }
0x144: {  	[bflag:$0x0] =	sbarrier.arrive $0xFFFF  }
0x145: {  	[hbm:s8], [sflag:s13] =	dma.local [spmem:s14], $0x2800  }
0x146: {  	s0 =	sadd.s32 $0x1, s0;
	_ =	swait.ge [sflag:s12], $0x2800  }
0x147: {  	p1 =	sne.s32 s0, s9;
	[sflag:s12] =	ssyncset.done $0x0  }
.Ltmp1:
0x148: {  	[sflag:s12] =	ssyncadd.s32 $0xFFFFD800;
	(pc) =	sbr.rel @p1 .LBB2_1-.Ltmp1, $4  }
0x149: {  	[hbm:s10], [sflag:s13] =	dma.local [spmem:s25], $0x50  }
0x14a: {  	_ =	swait.ge [sflag:s12], $0x50  }
0x14b: {  	[sflag:s12] =	ssyncset.done $0x0  }
0x14c: {  	[sflag:s12] =	ssyncadd.s32 $0xFFFFFFB0  }
0x14d: {  	_ =	sfence.sel $0x180000  }
0x14e: {  	[bflag:$0x0] =	sbarrier.arrive $0xFFFF  }
0x14f: {  	_ =	strace $0x90000047  }
0x150: {  	[bflag:$0x2] =	sbarrier.arrive $0xFFFF  }
0x151: {  	s0 =	rddreg [dreg:$0x4]  }
0x152: {  	s0 =	sadd.s32 @!p0 $0x100000, s0  }
0x153: {  	[sflag:s0] =	ssyncadd.tile.s32 @!p0 $0x1;
	_ =	shalt  }
.Lfunc_end2:
_tile_overlayer_lowered:
.L_overlay_start_2:
0x154: {  	(tag) =	ssettag $0x2  }
0x155: {  	s0 =	rddreg [dreg:$0x0];
	s2 =	stileid.u32  }
0x156: {  	s1 =	rddreg [dreg:$0x1];
	p0 =	sne.s32 s2, $0x0  }
0x157: {  	s3 =	rddreg [dreg:$0x2];
	[bflag:$0x3] =	sbarrier.arrive $0xFFFF;
	s2 =	simm.s32 @!p0 $0x1C07  }
0x158: {  	[timem:s3], [sflag:s2] =	dma.local @!p0 [hbm:s0], s1  }
0x159: {  	s0 =	simm.s32 @!p0 $0x7  }
0x15a: {  	_ =	swait.ge @!p0 [sflag:s0], s1  }
0x15b: {  	s1 =	ssub.s32 @!p0 $0x0, s1;
	[sflag:s0] =	ssyncset.done @!p0 $0x0  }
0x15c: {  	[sflag:s0] =	ssyncadd.s32 @!p0 s1  }
0x15d: {  	[bflag:$0x3] =	sbarrier.arrive $0xFFFF  }
0x15e: {  	_ =	shalt  }

// kernel: kernel.9.cloned.1.call-start
scs
__scs_entry_jumppad:
0x0: {  	(pc) =	sbr.rel $0x88, $3  }
0x1: {  	(tag) =	ssettag $0x0;
	lr =	simm.s32 $0x1  }
0x2: {  	[smem:$0x3F99] =	sst lr;
	_ =	strace $0xD0000000  }
0x3: {  	_ = 	snop  }
0x4: {  	_ = 	snop  }
0x5: {  	_ = 	snop  }
0x6: {  	_ = 	snop  }
0x7: {  	_ = 	snop  }
__scs_overlays_trampoline_lowered:
0x8: {  	[smem:$0x3FA8] =	sst s0  }
0x9: {  	[smem:$0x3FA9] =	sst s1  }
0xa: {  	[smem:$0x3FAA] =	sst s2  }
0xb: {  	[smem:$0x3FAB] =	sst s3  }
0xc: {  	[smem:$0x3FAC] =	sst s4  }
0xd: {  	[smem:$0x3FAD] =	sst s5  }
0xe: {  	[smem:$0x3FAE] =	sst s6  }
0xf: {  	[smem:$0x3FAF] =	sst s7  }
0x10: {  	[smem:$0x3FB0] =	sst s8  }
0x11: {  	[smem:$0x3FB1] =	sst s9;
	s0 =	simm.s32 @!p0 $0x0  }
0x12: {  	s1 =	sld [smem:$0x3F97];
	s0 =	simm.s32 @p0 $0x1  }
0x13: {  	[smem:$0x3FB2] =	sst s0;
	s0 =	simm.s32 @!p1 $0x0  }
0x14: {  	s2 =	sld [smem:$0x3F96];
	s0 =	simm.s32 @p1 $0x1  }
0x15: {  	[smem:$0x3FB3] =	sst s0;
	s0 =	simm.s32 @!p2 $0x0  }
0x16: {  	s3 =	sld [smem:$0x3FDB];
	s0 =	simm.s32 @p2 $0x1  }
0x17: {  	s4 =	simm.s32 $0x1BF5;
	[smem:$0x3FB5] =	sst s0  }
0x18: {  	s0 =	sld [smem:$0x3F98];
	_ =	swait.ge [sflag:s4], $0x0  }
0x19: {  	s7 =	sld [smem:$0x3F99]  }
0x1a: {  	s8 =	sadd.s32 $0xFFFFE003, lr  }
0x1b: {  	s9 =	sadd.s32 $0xFFFFFEF7, lr;
	s5 =	simm.s32 $0xFFFFFFFF;
	p2 =	slt.u32 s8, $0xFFFFF086  }
0x1c: {  	p1 =	slt.u32 s9, $0xF7A;
	s5 =	simm.s32 @!p2 $0x0  }
0x1d: {  	s5 =	simm.s32 @p1 $0x1;
	p0 =	seq.s32 s7, s2  }
0x1e: {  	s7 =	smul.u32 @!p0 $0xF7A, s2;
	p2 =	seq.s32 @!p0 s5, $0x0  }
0x1f: {  	s9 =	smul.u32 $0xF7A, s1;
	s8 =	simm.s32 @!p0 $0x1BF5;
	p2 =	por !p2, p0  }
0x20: {  	[sflag:s8] =	ssyncset.s32 @!p0 $0xFFFFF086;
	s6 =	sadd.s32 @!p0 s3, s7;
	s7 =	simm.s32 @!p0 $0x108  }
0x21: {  	s3 =	sadd.s32 s3, s9;
	s6 =	sadd.s32 @!p0 $0x88, s6;
	s7 =	simm.s32 @p2 $0x1082  }
0x22: {  	[simem:s7], [sflag:s8] =	dma.local @!p0 [hbm:s6], $0xF7A  }
0x23: {  	s9 =	sor.u32 $0xD0000000, s2;
	s6 =	simm.s32 $0x108;
	_ =	swait.ge @!p0 [sflag:s8], $0x0  }
0x24: {  	s3 =	sadd.s32 $0x88, s3;
	s6 =	simm.s32 @!p1 $0x1082;
	[sflag:s4] =	ssyncset.s32 $0xFFFFF086  }
0x25: {  	[simem:s6], [sflag:s4] =	dma.local [hbm:s3], $0xF7A  }
0x26: {  	[smem:$0x3F99] =	sst s1;
	(tag) =	ssettag s2;
	_ =	strace s9  }
0x27: {  	s1 =	sld [smem:$0x3FA9]  }
0x28: {  	s2 =	sld [smem:$0x3FAA]  }
0x29: {  	s4 =	sld [smem:$0x3FAC]  }
0x2a: {  	p0 =	seq.s32 s5, $0x0;
	s5 =	sld [smem:$0x3FAD]  }
0x2b: {  	s6 =	sld [smem:$0x3FAE]  }
0x2c: {  	s7 =	sld [smem:$0x3FAF]  }
0x2d: {  	s3 =	simm.s32 $0x108;
	s8 =	sld [smem:$0x3FB0]  }
0x2e: {  	s3 =	simm.s32 @!p0 $0x1082;
	s9 =	sld [smem:$0x3FB1]  }
0x2f: {  	lr =	sadd.s32 s0, s3;
	s0 =	sld [smem:$0x3FA8]  }
0x30: {  	s3 =	sld [smem:$0x3FAB]  }
0x31: {  	[smem:$0x3FB4] =	sst s10  }
0x32: {  	s10 =	sld [smem:$0x3FB2];
	_ =	sdelay $0x3  }
0x33: {  	p0 =	seq.s32 s10, $0x1;
	s10 =	sld [smem:$0x3FB4];
	_ =	sdelay $0x3  }
0x34: {  	[smem:$0x3FB4] =	sst s10  }
0x35: {  	s10 =	sld [smem:$0x3FB3];
	_ =	sdelay $0x3  }
0x36: {  	p1 =	seq.s32 s10, $0x1;
	s10 =	sld [smem:$0x3FB4];
	_ =	sdelay $0x3  }
0x37: {  	[smem:$0x3FB4] =	sst s10  }
0x38: {  	s10 =	sld [smem:$0x3FB5]  }
0x39: {  	_ = 	snop;
	(pc) =	sbr.ind lr, $3  }
0x3a: {  	_ = 	snop  }
0x3b: {  	_ = 	snop  }
0x3c: {  	p2 =	seq.s32 s10, $0x1;
	s10 =	sld [smem:$0x3FB4]  }
0x3d: {  	_ =	shalt  }
0x3e: {  	_ =	shalt  }
0x3f: {  	_ =	shalt  }
0x40: {  	_ =	shalt  }
0x41: {  	_ =	shalt  }
0x42: {  	_ =	shalt  }
0x43: {  	_ =	shalt  }
0x44: {  	_ =	shalt  }
0x45: {  	_ =	shalt  }
0x46: {  	_ =	shalt  }
0x47: {  	_ =	shalt  }
0x48: {  	_ =	shalt  }
0x49: {  	_ =	shalt  }
0x4a: {  	_ =	shalt  }
0x4b: {  	_ =	shalt  }
0x4c: {  	_ =	shalt  }
0x4d: {  	_ =	shalt  }
0x4e: {  	_ =	shalt  }
0x4f: {  	_ =	shalt  }
0x50: {  	_ =	shalt  }
0x51: {  	_ =	shalt  }
0x52: {  	_ =	shalt  }
0x53: {  	_ =	shalt  }
0x54: {  	_ =	shalt  }
0x55: {  	_ =	shalt  }
0x56: {  	_ =	shalt  }
0x57: {  	_ =	shalt  }
0x58: {  	_ =	shalt  }
0x59: {  	_ =	shalt  }
0x5a: {  	_ =	shalt  }
0x5b: {  	_ =	shalt  }
0x5c: {  	_ =	shalt  }
0x5d: {  	_ =	shalt  }
0x5e: {  	_ =	shalt  }
0x5f: {  	_ =	shalt  }
0x60: {  	_ =	shalt  }
0x61: {  	_ =	shalt  }
0x62: {  	_ =	shalt  }
0x63: {  	_ =	shalt  }
0x64: {  	_ =	shalt  }
0x65: {  	_ =	shalt  }
0x66: {  	_ =	shalt  }
0x67: {  	_ =	shalt  }
0x68: {  	_ =	shalt  }
0x69: {  	_ =	shalt  }
0x6a: {  	_ =	shalt  }
0x6b: {  	_ =	shalt  }
0x6c: {  	_ =	shalt  }
0x6d: {  	_ =	shalt  }
0x6e: {  	_ =	shalt  }
0x6f: {  	_ =	shalt  }
0x70: {  	_ =	shalt  }
0x71: {  	_ =	shalt  }
0x72: {  	_ =	shalt  }
0x73: {  	_ =	shalt  }
0x74: {  	_ =	shalt  }
0x75: {  	_ =	shalt  }
0x76: {  	_ =	shalt  }
0x77: {  	_ =	shalt  }
0x78: {  	_ =	shalt  }
0x79: {  	_ =	shalt  }
0x7a: {  	_ =	shalt  }
0x7b: {  	_ =	shalt  }
0x7c: {  	_ =	shalt  }
0x7d: {  	_ =	shalt  }
0x7e: {  	_ =	shalt  }
0x7f: {  	_ =	shalt  }
0x80: {  	_ =	shalt  }
0x81: {  	_ =	shalt  }
0x82: {  	_ =	shalt  }
0x83: {  	_ =	shalt  }
0x84: {  	_ =	shalt  }
0x85: {  	_ =	shalt  }
0x86: {  	_ =	shalt  }
0x87: {  	_ =	shalt  }
.Lfunc_end0:
.L_simem_size_0:
called_computation.1_lowered:
.L_overlay_start_0:
0x88: {  	s2 =	sld [smem:$0x3FD9]  }
0x89: {  	s3 =	sld [smem:$0x3FFE];
	_ =	sdelay $0x1  }
0x8a: {  	s1 =	srdreg.scid  }
0x8b: {  	s0 =	sand.u32 $0x1, s1  }
0x8c: {  	s17 =	sshll.u32 s0, $0xA;
	s2 =	sadd.s32 s3, s2  }
0x8d: {  	s2 =	sadd.s32 s2, s17  }
0x8e: {  	[smem:$0x3FC0] =	sst s2  }
0x8f: {  	_ = 	snop  }
0x90: {  	s2 =	sld [smem:$0x3FD0];
	(tm) =	ssettm $0x1  }
0x91: {  	s18 =	sld [smem:$0x3FFB];
	_ =	sdelay $0x3  }
0x92: {  	_ =	strace s18  }
0x93: {  	s3 =	sld [smem:$0x3FFC];
	_ =	sdelay $0x3  }
0x94: {  	_ =	strace s3  }
0x95: {  	s3 =	sld [smem:$0x3FFD];
	_ =	sdelay $0x3  }
0x96: {  	_ =	strace s3  }
0x97: {  	_ =	strace $0x8FFFFFFF  }
0x98: {  	s19 =	sld [smem:$0x3FDB];
	_ =	sdelay $0x1  }
0x99: {  	s4 =	simm.s32 $_scs_section_size  }
0x9a: {  	s5 =	simm.s32 $_size__tile_overlayer_lowered;
	s6 =	simm.s32 $_tile_overlayer_lowered  }
0x9b: {  	s22 =	simm.s32 $0x1BFF;
	s21 =	sshll.u32 s6, $0x1;
	s3 =	sadd.s32 s4, s19  }
0x9c: {  	s7 =	simm.s32 $0x0;
	s20 =	sshll.u32 s5, $0x1;
	s5 =	sadd.s32 s21, s3  }
0x9d: {  	[timem:s7], [sflag:s22] =	dma.local [hbm:s5], s20  }
0x9e: {  	_ =	swait.ge [sflag:s22], s20  }
0x9f: {  	s4 =	ssub.s32 $0x0, s20;
	[sflag:s22] =	ssyncset.done $0x0  }
0xa0: {  	[sflag:s22] =	ssyncadd.s32 s4;
	_ =	sdelay $0x1  }
0xa1: {  	s23 =	simm.s32 $0x1B8B  }
0xa2: {  	_ =	swait.ge [sflag:s23], $0x1  }
0xa3: {  	[sflag:s23] =	ssyncset.done $0x0  }
0xa4: {  	s25 =	simm.s32 $0x1B8E;
	s24 =	sld [smem:$0x3FFE];
	[sflag:s23] =	ssyncadd.s32 $0xFFFFFFFF  }
0xa5: {  	s26 =	simm.s32 $execute0_lowered;
	[smem:$0x3FD2] =	sst s25  }
0xa6: {  	s5 =	sshll.u32 s26, $0x1;
	_ =	strace $0x80000049;
	[dreg:$0x1] =	wrdreg $0xFFFFFFFF  }
0xa7: {  	s28 =	simm.s32 $_size_execute0_lowered;
	s3 =	sadd.s32 s3, s5;
	[dreg:$0x0] =	wrdreg $0x0  }
0xa8: {  	s5 =	sshll.u32 s28, $0x1;
	[dreg:$0x2] =	wrdreg s3  }
0xa9: {  	[dreg:$0x3] =	wrdreg s5  }
0xaa: {  	[dreg:$0x4] =	wrdreg $0xC0  }
0xab: {  	_ =	task [dreg:s7], $0x5FFFF  }
0xac: {  	[dreg:$0x1] =	wrdreg $0xFFFFFFFF  }
0xad: {  	[dreg:$0x0] =	wrdreg $0x60  }
0xae: {  	[dreg:$0x2] =	wrdreg s24  }
0xaf: {  	[dreg:$0x3] =	wrdreg s2  }
0xb0: {  	[dreg:$0x4] =	wrdreg $0x0  }
0xb1: {  	[dreg:$0x5] =	wrdreg $0x9  }
0xb2: {  	_ =	task.clear_ibuf [dreg:s7], $0x6FFFF;
	_ =	strace $0x90000049  }
0xb3: {  	s29 =	simm.s32 $0x9;
	_ =	strace $0x8000004B  }
0xb4: {  	_ =	swait.ge [sflag:s29], $0x1  }
0xb5: {  	[sflag:s29] =	ssyncadd.s32 $0xFFFFFFFF  }
0xb6: {  	_ =	strace $0x9000004B  }
0xb7: {  	_ =	sfence  }
0xb8: {  	s30 =	sld [smem:$0x0];
	_ =	sdelay $0x2  }
0xb9: {  	s31 =	sshll.u32 s1, $0xD;
	s1 =	sshrl.u32 s1, $0x2  }
0xba: {  	s3 =	sand.u32 $0x4000, s31;
	s1 =	sadd.s32 s1, s30  }
0xbb: {  	s0 =	sor.u32 s3, s0;
	s1 =	sshll.u32 s1, $0x11  }
0xbc: {  	s0 =	sor.u32 s1, s0  }
0xbd: {  	s0 =	sadd.s32 $0x8F2B, s0  }
0xbe: {  	[sflag:s0] =	ssyncadd.remote.s32 $0x1  }
0xbf: {  	_ =	sfence.sel $0xFFFF  }
0xc0: {  	[dreg:$0x0] =	wrdreg $0xFFFFFFFF;
	(pc) =	sbr.abs _section_cstart, $3  }
0xc1: {  	[dreg:$0x1] =	wrdreg $0xFFFFFFFF  }
0xc2: {  	_ =	task.clear_ibuf [dreg:s7], $0x2FFFF;
	_ =	strace $0x9FFFFFFF  }
0xc3: {  	(tm) =	ssettm $0x7FFFFFFF  }
tec
execute0_lowered:
.L_overlay_start_1:
0x0: {  	(tag) =	ssettag $0x1  }
0x1: {  	s5 =	rddreg [dreg:$0x0]  }
0x2: {  	s6 =	rddreg [dreg:$0x1]  }
0x3: {  	s2 =	rddreg [dreg:$0x2]  }
0x4: {  	s0 =	rddreg [dreg:$0x3]  }
0x5: {  	s1 =	stileid.u32;
	s4 =	srdreg.scid  }
0x6: {  	s3 =	simm.s32 $0x0;
	s13 =	simm.s32 $0x80;
	s14 =	simm.s32 $0x16800  }
0x7: {  	s15 =	simm.s32 $0x16A00;
	s16 =	simm.s32 $0x16880;
	s17 =	simm.s32 $0x1AA00  }
0x8: {  	s18 =	simm.s32 $0x1;
	s19 =	simm.s32 $0x16900;
	s20 =	simm.s32 $0x3  }
0x9: {  	s21 =	simm.s32 $0x2;
	s22 =	simm.s32 $0x16980;
	s23 =	simm.s32 $0x4  }
0xa: {  	s24 =	simm.s32 $0x0;
	s7 =	smul.u32 $0x14000, s1;
	s8 =	sand.u32 $0x1, s4  }
0xb: {  	[smem:$0x7FF] =	sst s3;
	s4 =	sadd.s32 $0x2A00, s5;
	s28 =	smul.u32 $0x50000, s1  }
0xc: {  	s31 =	sshll.u32 s1, $0x6;
	s9 =	smul.u32 $0x140000, s8;
	s10 =	sshll.u32 s8, $0x4  }
0xd: {  	_ =	strace $0x8000004A;
	s8 =	ssub.s32 $0x2, s8;
	s10 =	sor.u32 s1, s10  }
0xe: {  	s11 =	sshrl.u32 s7, $0x3;
	s29 =	sshrl.u32 s8, $0x1;
	s30 =	sshrl.u32 s28, $0x2  }
0xf: {  	s7 =	sadd.s32 s7, s9;
	s26 =	smul.u32 $0x500, s10;
	s11 =	sadd.s32 s11, s5  }
0x10: {  	s8 =	ssub.s32 s8, s29;
	s12 =	sadd.s32 s30, s2;
	s9 =	simm.s32 $0x14000  }
0x11: {  	s10 =	simm.s32 $0x5;
	s7 =	sshrl.u32 s7, $0x3;
	s8 =	smax.u32 s8, $0x1  }
0x12: {  	s12 =	sshrl.u32 s12, $0x3;
	s7 =	sadd.s32 s7, s5;
	s5 =	sadd.s32 s6, s26  }
0x13: {  	s6 =	sadd.s32 $0x2B000, s11;
	s11 =	sor.u32 $0x1C05, s31;
	s7 =	sadd.s32 $0x53000, s7  }
.LBB2_1:
0x14: {  	[tilespmem:s9], [sflag:$0x5] =	stream.linear.gather [hbm4b:s5+s3], $0x2800, $0x38;
	[tilespmem:$0x1EA00] =	vst v63  }
0x15: {  	_ =	swait.ge [sflag:s10], $0x2800  }
0x16: {  	[sflag:s10] =	ssyncset.done $0x0  }
0x17: {  	[sflag:s10] =	ssyncadd.s32 $0xFFFFD800  }
0x18: {  	[spmem:s12], [sflag:s11] =	dma.local [hbm:s6], $0x2800  }
0x19: {  	_ =	swait.ge [sflag:s10], $0x2800  }
0x1a: {  	[sflag:s10] =	ssyncset.done $0x0  }
0x1b: {  	[sflag:s10] =	ssyncadd.s32 $0xFFFFD800  }
0x1c: {  	[bflag:$0x0] =	sbarrier.arrive $0xFFFF  }
0x1d: {  	v0 =	vld [tilespmem:$0x14000]  }
0x1e: {  	v1 =	vld [tilespmem:$0x14010]  }
0x1f: {  	v2 =	vld [tilespmem:$0x14020]  }
0x20: {  	v3 =	vld [tilespmem:$0x14030]  }
0x21: {  	v4 =	vld [tilespmem:$0x14040]  }
0x22: {  	v5 =	vld [tilespmem:$0x14050];
	v0 =	vand.u32 $0xFFFF, v0  }
0x23: {  	v6 =	vld [tilespmem:$0x14060];
	v1 =	vand.u32 $0xFFFF, v1;
	[tilespmem:$0x16800] =	vst v0  }
0x24: {  	v35 =	vld [tilespmem:$0x14070];
	v2 =	vand.u32 $0xFFFF, v2;
	[tilespmem:$0x16810] =	vst v1  }
0x25: {  	v36 =	vand.u32 $0xFFFF, v3;
	[tilespmem:$0x16820] =	vst v2  }
0x26: {  	v37 =	vand.u32 $0xFFFF, v4;
	[tilespmem:$0x16830] =	vst v36  }
0x27: {  	v38 =	vand.u32 $0xFFFF, v5;
	[tilespmem:$0x16840] =	vst v37  }
0x28: {  	v39 =	vand.u32 $0xFFFF, v6;
	[tilespmem:$0x16850] =	vst v38  }
0x29: {  	v0 =	vand.u32 $0xFFFF, v35;
	[tilespmem:$0x16860] =	vst v39  }
0x2a: {  	[tilespmem:$0x16870] =	vst v0  }
0x2b: {  	[tilespmem:s15], [sflag:$0x1] =	stream.indirect.gather [hbm4b:s4+s13], $0x80, s14, s13, $0xb8;
	[tilespmem:$0x1EA00] =	vst v63  }
0x2c: {  	v40 =	vld [tilespmem:$0x14080]  }
0x2d: {  	v41 =	vld [tilespmem:$0x14090]  }
0x2e: {  	v42 =	vld [tilespmem:$0x140A0]  }
0x2f: {  	v43 =	vld [tilespmem:$0x140B0]  }
0x30: {  	v44 =	vld [tilespmem:$0x140C0]  }
0x31: {  	v45 =	vld [tilespmem:$0x140D0];
	v0 =	vand.u32 $0xFFFF, v40  }
0x32: {  	v46 =	vld [tilespmem:$0x140E0];
	v1 =	vand.u32 $0xFFFF, v41;
	[tilespmem:$0x16880] =	vst v0  }
0x33: {  	v47 =	vld [tilespmem:$0x140F0];
	v2 =	vand.u32 $0xFFFF, v42;
	[tilespmem:$0x16890] =	vst v1  }
0x34: {  	v48 =	vand.u32 $0xFFFF, v43;
	[tilespmem:$0x168A0] =	vst v2  }
0x35: {  	v49 =	vand.u32 $0xFFFF, v44;
	[tilespmem:$0x168B0] =	vst v48  }
0x36: {  	v50 =	vand.u32 $0xFFFF, v45;
	[tilespmem:$0x168C0] =	vst v49  }
0x37: {  	v51 =	vand.u32 $0xFFFF, v46;
	[tilespmem:$0x168D0] =	vst v50  }
0x38: {  	v0 =	vand.u32 $0xFFFF, v47;
	[tilespmem:$0x168E0] =	vst v51  }
0x39: {  	[tilespmem:$0x168F0] =	vst v0  }
0x3a: {  	[tilespmem:s17], [sflag:$0x2] =	stream.indirect.gather [hbm4b:s4+s13], $0x80, s16, s13, $0xb8;
	[tilespmem:$0x1EA00] =	vst v63  }
0x3b: {  	_ =	swait.ge [sflag:s18], $0x4000  }
0x3c: {  	[sflag:s18] =	ssyncset.done $0x0  }
0x3d: {  	[sflag:s18] =	ssyncadd.s32 $0xFFFFC000  }
0x3e: {  	v52 =	vld [tilespmem:$0x14000]  }
0x3f: {  	v53 =	vld [tilespmem:$0x14010]  }
0x40: {  	v54 =	vld [tilespmem:$0x14020]  }
0x41: {  	v55 =	vld [tilespmem:$0x14030]  }
0x42: {  	v56 =	vld [tilespmem:$0x14040]  }
0x43: {  	v57 =	vld [tilespmem:$0x14050];
	v0 =	vshra.s32 v52, $0x10  }
0x44: {  	v58 =	vld [tilespmem:$0x14060];
	v1 =	vshra.s32 v53, $0x10;
	[tilespmem:$0x16900] =	vst v0  }
0x45: {  	v59 =	vld [tilespmem:$0x14070];
	v2 =	vshra.s32 v54, $0x10;
	[tilespmem:$0x16910] =	vst v1  }
0x46: {  	v60 =	vshra.s32 v55, $0x10;
	[tilespmem:$0x16920] =	vst v2  }
0x47: {  	v61 =	vshra.s32 v56, $0x10;
	[tilespmem:$0x16930] =	vst v60  }
0x48: {  	v62 =	vshra.s32 v57, $0x10;
	[tilespmem:$0x16940] =	vst v61  }
0x49: {  	v63 =	vshra.s32 v58, $0x10;
	[tilespmem:$0x16950] =	vst v62  }
0x4a: {  	v0 =	vshra.s32 v59, $0x10;
	[tilespmem:$0x16960] =	vst v63  }
0x4b: {  	s25 =	simm.s32 $0x7C0;
	[tilespmem:$0x16970] =	vst v0  }
0x4c: {  	[spmem:s2] =	stream.indirect.scatter.add.f32 [tilespmem:s15], [sflag:$0x3], $0x80, s19, s13, $0xb8;
	[tilespmem:$0x1EA00] =	vst v63  }
.LBB2_2:
0x4d: {  	_ =	swait.ge [sflag:s20], $0x4000  }
0x4e: {  	[sflag:s20] =	ssyncset.done $0x0  }
0x4f: {  	s26 =	sshra.s32 s25, $0x2;
	[sflag:s20] =	ssyncadd.s32 $0xFFFFC000  }
0x50: {  	v0 =	vld [tilespmem:s26+$0x13F10]  }
0x51: {  	v1 =	vld [tilespmem:s26+$0x13F20]  }
0x52: {  	v2 =	vld [tilespmem:s26+$0x13F30]  }
0x53: {  	v3 =	vld [tilespmem:s26+$0x13F40]  }
0x54: {  	v4 =	vld [tilespmem:s26+$0x13F50]  }
0x55: {  	v5 =	vld [tilespmem:s26+$0x13F60]  }
0x56: {  	v6 =	vld [tilespmem:s26+$0x13F70];
	v0 =	vand.u32 $0xFFFF, v0  }
0x57: {  	v7 =	vld [tilespmem:s26+$0x13F80];
	v1 =	vand.u32 $0xFFFF, v1;
	[tilespmem:$0x16800] =	vst v0  }
0x58: {  	v16 =	vand.u32 $0xFFFF, v2;
	[tilespmem:$0x16810] =	vst v1  }
0x59: {  	v17 =	vand.u32 $0xFFFF, v3;
	[tilespmem:$0x16820] =	vst v16  }
0x5a: {  	v18 =	vand.u32 $0xFFFF, v4;
	[tilespmem:$0x16830] =	vst v17  }
0x5b: {  	v19 =	vand.u32 $0xFFFF, v5;
	[tilespmem:$0x16840] =	vst v18  }
0x5c: {  	v20 =	vand.u32 $0xFFFF, v6;
	[tilespmem:$0x16850] =	vst v19  }
0x5d: {  	v21 =	vand.u32 $0xFFFF, v7;
	[tilespmem:$0x16860] =	vst v20  }
0x5e: {  	[tilespmem:$0x16870] =	vst v21  }
0x5f: {  	[tilespmem:s15], [sflag:$0x1] =	stream.indirect.gather [hbm4b:s4+s13], $0x80, s14, s13, $0xb8;
	[tilespmem:$0x1EA00] =	vst v63  }
0x60: {  	_ =	swait.ge [sflag:s21], $0x4000  }
0x61: {  	[sflag:s21] =	ssyncset.done $0x0  }
0x62: {  	[sflag:s21] =	ssyncadd.s32 $0xFFFFC000  }
0x63: {  	v22 =	vld [tilespmem:s26+$0x13E90]  }
0x64: {  	v23 =	vld [tilespmem:s26+$0x13EA0]  }
0x65: {  	v24 =	vld [tilespmem:s26+$0x13EB0]  }
0x66: {  	v25 =	vld [tilespmem:s26+$0x13EC0]  }
0x67: {  	v26 =	vld [tilespmem:s26+$0x13ED0]  }
0x68: {  	v27 =	vld [tilespmem:s26+$0x13EE0]  }
0x69: {  	v28 =	vld [tilespmem:s26+$0x13EF0];
	v0 =	vshra.s32 v22, $0x10  }
0x6a: {  	v29 =	vld [tilespmem:s26+$0x13F00];
	v1 =	vshra.s32 v23, $0x10;
	[tilespmem:$0x16980] =	vst v0  }
0x6b: {  	v30 =	vshra.s32 v24, $0x10;
	[tilespmem:$0x16990] =	vst v1  }
0x6c: {  	v31 =	vshra.s32 v25, $0x10;
	[tilespmem:$0x169A0] =	vst v30  }
0x6d: {  	v32 =	vshra.s32 v26, $0x10;
	[tilespmem:$0x169B0] =	vst v31  }
0x6e: {  	v33 =	vshra.s32 v27, $0x10;
	[tilespmem:$0x169C0] =	vst v32  }
0x6f: {  	v34 =	vshra.s32 v28, $0x10;
	[tilespmem:$0x169D0] =	vst v33  }
0x70: {  	v35 =	vshra.s32 v29, $0x10;
	[tilespmem:$0x169E0] =	vst v34  }
0x71: {  	[tilespmem:$0x169F0] =	vst v35  }
0x72: {  	[spmem:s2] =	stream.indirect.scatter.add.f32 [tilespmem:s17], [sflag:$0x4], $0x80, s22, s13, $0xb8;
	[tilespmem:$0x1EA00] =	vst v63  }
0x73: {  	_ =	swait.ge [sflag:s23], $0x4000  }
0x74: {  	[sflag:s23] =	ssyncset.done $0x0  }
0x75: {  	[sflag:s23] =	ssyncadd.s32 $0xFFFFC000  }
0x76: {  	v36 =	vld [tilespmem:s26+$0x13F90]  }
0x77: {  	v37 =	vld [tilespmem:s26+$0x13FA0]  }
0x78: {  	v38 =	vld [tilespmem:s26+$0x13FB0]  }
0x79: {  	v39 =	vld [tilespmem:s26+$0x13FC0]  }
0x7a: {  	v40 =	vld [tilespmem:s26+$0x13FD0]  }
0x7b: {  	v41 =	vld [tilespmem:s26+$0x13FE0]  }
0x7c: {  	v42 =	vld [tilespmem:s26+$0x13FF0];
	v0 =	vand.u32 $0xFFFF, v36  }
0x7d: {  	v43 =	vld [tilespmem:s26+$0x14000];
	v1 =	vand.u32 $0xFFFF, v37;
	[tilespmem:$0x16880] =	vst v0  }
0x7e: {  	v44 =	vand.u32 $0xFFFF, v38;
	[tilespmem:$0x16890] =	vst v1  }
0x7f: {  	v45 =	vand.u32 $0xFFFF, v39;
	[tilespmem:$0x168A0] =	vst v44  }
0x80: {  	v46 =	vand.u32 $0xFFFF, v40;
	[tilespmem:$0x168B0] =	vst v45  }
0x81: {  	v47 =	vand.u32 $0xFFFF, v41;
	[tilespmem:$0x168C0] =	vst v46  }
0x82: {  	v48 =	vand.u32 $0xFFFF, v42;
	[tilespmem:$0x168D0] =	vst v47  }
0x83: {  	v49 =	vand.u32 $0xFFFF, v43;
	[tilespmem:$0x168E0] =	vst v48  }
0x84: {  	[tilespmem:$0x168F0] =	vst v49  }
0x85: {  	[tilespmem:s17], [sflag:$0x2] =	stream.indirect.gather [hbm4b:s4+s13], $0x80, s16, s13, $0xb8;
	[tilespmem:$0x1EA00] =	vst v63  }
0x86: {  	_ =	swait.ge [sflag:s18], $0x4000  }
0x87: {  	[sflag:s18] =	ssyncset.done $0x0  }
0x88: {  	[sflag:s18] =	ssyncadd.s32 $0xFFFFC000  }
0x89: {  	v50 =	vld [tilespmem:s26+$0x13F10]  }
0x8a: {  	v51 =	vld [tilespmem:s26+$0x13F20]  }
0x8b: {  	v52 =	vld [tilespmem:s26+$0x13F30]  }
0x8c: {  	v53 =	vld [tilespmem:s26+$0x13F40]  }
0x8d: {  	v54 =	vld [tilespmem:s26+$0x13F50]  }
0x8e: {  	v55 =	vld [tilespmem:s26+$0x13F60]  }
0x8f: {  	v56 =	vld [tilespmem:s26+$0x13F70];
	v0 =	vshra.s32 v50, $0x10  }
0x90: {  	v57 =	vld [tilespmem:s26+$0x13F80];
	v1 =	vshra.s32 v51, $0x10;
	[tilespmem:$0x16900] =	vst v0  }
0x91: {  	v58 =	vshra.s32 v52, $0x10;
	[tilespmem:$0x16910] =	vst v1  }
0x92: {  	v59 =	vshra.s32 v53, $0x10;
	[tilespmem:$0x16920] =	vst v58  }
0x93: {  	p0 =	sne.s32 s25, $0x9FC0;
	v60 =	vshra.s32 v54, $0x10;
	[tilespmem:$0x16930] =	vst v59  }
.Ltmp0:
0x94: {  	v61 =	vshra.s32 v55, $0x10;
	[tilespmem:$0x16940] =	vst v60;
	(pc) =	sbr.rel @p0 .LBB2_2-.Ltmp0, $4  }
0x95: {  	v62 =	vshra.s32 v56, $0x10;
	[tilespmem:$0x16950] =	vst v61  }
0x96: {  	v63 =	vshra.s32 v57, $0x10;
	[tilespmem:$0x16960] =	vst v62  }
0x97: {  	s25 =	sadd.s32 $0x400, s25;
	[tilespmem:$0x16970] =	vst v63  }
0x98: {  	[spmem:s2] =	stream.indirect.scatter.add.f32 [tilespmem:s15], [sflag:$0x3], $0x80, s19, s13, $0xb8;
	[tilespmem:$0x1EA00] =	vst v63  }
0x99: {  	_ =	swait.ge [sflag:s20], $0x4000  }
0x9a: {  	[sflag:s20] =	ssyncset.done $0x0  }
0x9b: {  	[sflag:s20] =	ssyncadd.s32 $0xFFFFC000  }
0x9c: {  	v0 =	vld [tilespmem:$0x16780]  }
0x9d: {  	v1 =	vld [tilespmem:$0x16790]  }
0x9e: {  	v2 =	vld [tilespmem:$0x167A0]  }
0x9f: {  	v3 =	vld [tilespmem:$0x167B0]  }
0xa0: {  	v4 =	vld [tilespmem:$0x167C0]  }
0xa1: {  	v5 =	vld [tilespmem:$0x167D0];
	v0 =	vand.u32 $0xFFFF, v0  }
0xa2: {  	v6 =	vld [tilespmem:$0x167E0];
	v1 =	vand.u32 $0xFFFF, v1;
	[tilespmem:$0x16800] =	vst v0  }
0xa3: {  	v47 =	vld [tilespmem:$0x167F0];
	v2 =	vand.u32 $0xFFFF, v2;
	[tilespmem:$0x16810] =	vst v1  }
0xa4: {  	v48 =	vand.u32 $0xFFFF, v3;
	[tilespmem:$0x16820] =	vst v2  }
0xa5: {  	v49 =	vand.u32 $0xFFFF, v4;
	[tilespmem:$0x16830] =	vst v48  }
0xa6: {  	v50 =	vand.u32 $0xFFFF, v5;
	[tilespmem:$0x16840] =	vst v49  }
0xa7: {  	v51 =	vand.u32 $0xFFFF, v6;
	[tilespmem:$0x16850] =	vst v50  }
0xa8: {  	v0 =	vand.u32 $0xFFFF, v47;
	[tilespmem:$0x16860] =	vst v51  }
0xa9: {  	[tilespmem:$0x16870] =	vst v0  }
0xaa: {  	[tilespmem:s15], [sflag:$0x1] =	stream.indirect.gather [hbm4b:s4+s13], $0x80, s14, s13, $0xb8;
	[tilespmem:$0x1EA00] =	vst v63  }
0xab: {  	_ =	swait.ge [sflag:s21], $0x4000  }
0xac: {  	[sflag:s21] =	ssyncset.done $0x0  }
0xad: {  	[sflag:s21] =	ssyncadd.s32 $0xFFFFC000  }
0xae: {  	v52 =	vld [tilespmem:$0x16780]  }
0xaf: {  	v53 =	vld [tilespmem:$0x16790]  }
0xb0: {  	v54 =	vld [tilespmem:$0x167A0]  }
0xb1: {  	v55 =	vld [tilespmem:$0x167B0]  }
0xb2: {  	v56 =	vld [tilespmem:$0x167C0]  }
0xb3: {  	v57 =	vld [tilespmem:$0x167D0];
	v0 =	vshra.s32 v52, $0x10  }
0xb4: {  	v58 =	vld [tilespmem:$0x167E0];
	v1 =	vshra.s32 v53, $0x10;
	[tilespmem:$0x16980] =	vst v0  }
0xb5: {  	v59 =	vld [tilespmem:$0x167F0];
	v2 =	vshra.s32 v54, $0x10;
	[tilespmem:$0x16990] =	vst v1  }
0xb6: {  	v60 =	vshra.s32 v55, $0x10;
	[tilespmem:$0x169A0] =	vst v2  }
0xb7: {  	v61 =	vshra.s32 v56, $0x10;
	[tilespmem:$0x169B0] =	vst v60  }
0xb8: {  	v62 =	vshra.s32 v57, $0x10;
	[tilespmem:$0x169C0] =	vst v61  }
0xb9: {  	v63 =	vshra.s32 v58, $0x10;
	[tilespmem:$0x169D0] =	vst v62  }
0xba: {  	v0 =	vshra.s32 v59, $0x10;
	[tilespmem:$0x169E0] =	vst v63  }
0xbb: {  	[tilespmem:$0x169F0] =	vst v0  }
0xbc: {  	[spmem:s2] =	stream.indirect.scatter.add.f32 [tilespmem:s17], [sflag:$0x4], $0x80, s22, s13, $0xb8;
	[tilespmem:$0x1EA00] =	vst v63  }
0xbd: {  	_ =	swait.ge [sflag:s18], $0x4000  }
0xbe: {  	[sflag:s18] =	ssyncset.done $0x0  }
0xbf: {  	[sflag:s18] =	ssyncadd.s32 $0xFFFFC000  }
0xc0: {  	_ =	swait.ge [sflag:s23], $0x4000  }
0xc1: {  	s24 =	sadd.s32 $0x1, s24;
	[sflag:s23] =	ssyncset.done $0x0  }
0xc2: {  	p0 =	sne.s32 s24, s8;
	[sflag:s23] =	ssyncadd.s32 $0xFFFFC000  }
.Ltmp1:
0xc3: {  	[bflag:$0x0] =	sbarrier.arrive $0xFFFF;
	(pc) =	sbr.rel @p0 .LBB2_1-.Ltmp1, $4  }
0xc4: {  	[hbm:s7], [sflag:s11] =	dma.local [spmem:s12], $0x2800  }
0xc5: {  	_ =	swait.ge [sflag:s10], $0x2800  }
0xc6: {  	[sflag:s10] =	ssyncset.done $0x0  }
0xc7: {  	[sflag:s10] =	ssyncadd.s32 $0xFFFFD800  }
0xc8: {  	_ =	sfence.sel $0x180000  }
0xc9: {  	[bflag:$0x0] =	sbarrier.arrive $0xFFFF  }
0xca: {  	p0 =	sne.s32 s1, $0x0;
	_ =	strace $0x9000004A  }
0xcb: {  	s0 =	sadd.s32 @!p0 $0x100000, s0;
	[bflag:$0x2] =	sbarrier.arrive $0xFFFF  }
0xcc: {  	[sflag:s0] =	ssyncadd.tile.s32 @!p0 $0x1;
	_ =	shalt  }
.Lfunc_end2:
_tile_overlayer_lowered:
.L_overlay_start_2:
0xcd: {  	(tag) =	ssettag $0x2  }
0xce: {  	s0 =	rddreg [dreg:$0x0];
	s2 =	stileid.u32  }
0xcf: {  	s1 =	rddreg [dreg:$0x1];
	p0 =	sne.s32 s2, $0x0  }
0xd0: {  	s3 =	rddreg [dreg:$0x2];
	[bflag:$0x3] =	sbarrier.arrive $0xFFFF;
	s2 =	simm.s32 @!p0 $0x1C05  }
0xd1: {  	[timem:s3], [sflag:s2] =	dma.local @!p0 [hbm:s0], s1  }
0xd2: {  	s0 =	simm.s32 @!p0 $0x5  }
0xd3: {  	_ =	swait.ge @!p0 [sflag:s0], s1  }
0xd4: {  	s1 =	ssub.s32 @!p0 $0x0, s1;
	[sflag:s0] =	ssyncset.done @!p0 $0x0  }
0xd5: {  	[sflag:s0] =	ssyncadd.s32 @!p0 s1  }
0xd6: {  	[bflag:$0x3] =	sbarrier.arrive $0xFFFF  }
0xd7: {  	_ =	shalt  }

</sc_bundles>
